<compile_context>
chip_gen: v7x
topology: tpu7x:2x2x1
jax: 0.10.2.dev20260603
libtpu: 0.0.44.dev20260713+nightly
codegen_flags: <defaults>
</compile_context>

<pallas_src>
import functools

import jax
import jax.numpy as jnp
from jax import lax
from jax.experimental import pallas as pl
from jax.experimental.pallas import tpu as pltpu
from jax.experimental.pallas import tpu_sc as plsc

N = 10000
NPAD = 10240
D = 128
DH = 64
E = 320000
B = 125
NBLK = E // B
NSUB = 16
NB = NBLK // NSUB
IDXC = 80
NSLAB = NB // IDXC
ROWS_PER_TILE = NPAD // NSUB
CW = 16
DIV_CHUNK = 80
NBUF = 5
AHEAD = 4


def _sc_scatter_mean(srcb, dstb, h0, h1):
  mesh = plsc.VectorSubcoreMesh(core_axis_name="c", subcore_axis_name="s")

  @functools.partial(
      pl.kernel,
      out_type=jax.ShapeDtypeStruct((NPAD, D), jnp.float32),
      mesh=mesh,
      scratch_types=[
          pltpu.VMEM_SHARED((NPAD, DH), jnp.float32),
          pltpu.VMEM_SHARED((NPAD, CW), jnp.float32),
          pltpu.VMEM((IDXC, B), jnp.int32),
          pltpu.VMEM((IDXC, B), jnp.int32),
          pltpu.VMEM((NBUF, B, DH), jnp.float32),
          pltpu.VMEM((B, CW), jnp.float32),
          pltpu.VMEM((DIV_CHUNK, DH), jnp.float32),
          pltpu.VMEM((DIV_CHUNK, CW), jnp.float32),
          pltpu.SemaphoreType.DMA,
          pltpu.SemaphoreType.DMA,
          pltpu.SemaphoreType.DMA,
          pltpu.SemaphoreType.DMA,
          pltpu.SemaphoreType.DMA,
          pltpu.SemaphoreType.DMA,
          pltpu.SemaphoreType.DMA,
          pltpu.SemaphoreType.DMA,
          pltpu.SemaphoreType.DMA,
          pltpu.SemaphoreType.DMA,
          pltpu.SemaphoreType.DMA,
          pltpu.SemaphoreType.DMA,
          pltpu.SemaphoreType.DMA,
          pltpu.SemaphoreType.DMA,
          pltpu.SemaphoreType.DMA,
      ],
      compiler_params=pltpu.CompilerParams(use_tc_tiling_on_sc=False),
  )
  def k(srcb_hbm, dstb_hbm, h0_hbm, h1_hbm, out_hbm,
        acc, cnt, src_v, dst_v, rows, ones_v, accv, cntv,
        g0, g1, g2, g3, g4, s0, s1, s2, s3, s4, o0, o1, o2, o3, o4):
    c = lax.axis_index("c")
    s = lax.axis_index("s")
    row0 = s * ROWS_PER_TILE
    blk0 = s * NB
    gsem = [g0, g1, g2, g3, g4]
    ssem = [s0, s1, s2, s3, s4]
    osem = [o0, o1, o2, o3, o4]

    pltpu.async_copy(srcb_hbm.at[pl.ds(blk0, IDXC)], src_v, g0)
    pltpu.async_copy(dstb_hbm.at[pl.ds(blk0, IDXC)], dst_v, g1)

    @pl.loop(0, B)
    def _(i):
      ones_v[i, :] = jnp.ones((CW,), jnp.float32)

    @pl.loop(0, DIV_CHUNK)
    def _(i):
      cntv[i, :] = jnp.zeros((CW,), jnp.float32)
      for q in range(DH // 16):
        accv[i, pl.ds(q * 16, 16)] = jnp.zeros((16,), jnp.float32)

    @pl.loop(0, ROWS_PER_TILE, step=DIV_CHUNK)
    def _(t):
      pltpu.sync_copy(accv, acc.at[pl.ds(row0 + t, DIV_CHUNK)])
      pltpu.sync_copy(cntv, cnt.at[pl.ds(row0 + t, DIV_CHUNK)])

    plsc.subcore_barrier()

    def gather(j, b):
      @pl.when(c == 0)
      def _():
        pltpu.async_copy(h0_hbm.at[src_v.at[j]], rows.at[b], gsem[b])

      @pl.when(c == 1)
      def _():
        pltpu.async_copy(h1_hbm.at[src_v.at[j]], rows.at[b], gsem[b])

    def gather_wait(j, b):
      pltpu.make_async_copy(h0_hbm.at[src_v.at[j]], rows.at[b], gsem[b]).wait()

    @pl.loop(0, NSLAB)
    def _(sl):
      sblk = blk0 + sl * IDXC

      @pl.when(sl > 0)
      def _():
        pltpu.async_copy(srcb_hbm.at[pl.ds(sblk, IDXC)], src_v, g0)
        pltpu.async_copy(dstb_hbm.at[pl.ds(sblk, IDXC)], dst_v, g1)

      pltpu.make_async_copy(srcb_hbm.at[pl.ds(sblk, IDXC)], src_v, g0).wait()
      pltpu.make_async_copy(dstb_hbm.at[pl.ds(sblk, IDXC)], dst_v, g1).wait()

      for j in range(AHEAD):
        gather(j, j)

      @pl.loop(0, IDXC, step=NBUF)
      def _(i):
        for r in range(NBUF):
          b = r
          jj = i + r
          gather_wait(jj, b)
          pltpu.async_copy(rows.at[b], acc.at[dst_v.at[jj]], ssem[b], add=True)
          pltpu.async_copy(ones_v, cnt.at[dst_v.at[jj]], osem[b], add=True)

          @pl.when(jj >= NBUF - AHEAD)
          def _():
            bw = (r + AHEAD) % NBUF
            pltpu.make_async_copy(rows.at[bw],
                                  acc.at[dst_v.at[jj - (NBUF - AHEAD)]],
                                  ssem[bw]).wait()
            pltpu.make_async_copy(ones_v,
                                  cnt.at[dst_v.at[jj - (NBUF - AHEAD)]],
                                  osem[bw]).wait()

          @pl.when(jj + AHEAD < IDXC)
          def _():
            gather(jj + AHEAD, (r + AHEAD) % NBUF)

      for jj in range(IDXC - (NBUF - AHEAD), IDXC):
        b = jj % NBUF
        pltpu.make_async_copy(rows.at[b], acc.at[dst_v.at[jj]], ssem[b]).wait()
        pltpu.make_async_copy(ones_v, cnt.at[dst_v.at[jj]], osem[b]).wait()

    plsc.subcore_barrier()

    @pl.loop(0, ROWS_PER_TILE, step=DIV_CHUNK)
    def _(t):
      pltpu.sync_copy(acc.at[pl.ds(row0 + t, DIV_CHUNK)], accv)
      pltpu.sync_copy(cnt.at[pl.ds(row0 + t, DIV_CHUNK)], cntv)

      @pl.loop(0, DIV_CHUNK)
      def _(i):
        r = 1.0 / jnp.maximum(cntv[i, :], 1.0)
        for q in range(DH // 16):
          accv[i, pl.ds(q * 16, 16)] = accv[i, pl.ds(q * 16, 16)] * r

      pltpu.sync_copy(
          accv, out_hbm.at[pl.ds(row0 + t, DIV_CHUNK), pl.ds(c * DH, DH)])

  return k(srcb, dstb, h0, h1)


@jax.jit
def kernel(edge_index, h):
  src = edge_index[0].astype(jnp.int32)
  dst = edge_index[1].astype(jnp.int32)
  srcb = src.reshape(NBLK, B)
  dstb = dst.reshape(NBLK, B)
  out = _sc_scatter_mean(srcb, dstb, h[:, :DH], h[:, DH:])
  return out[:N]

# --- scband reference (transcript-rebuilt; emitter-appended) ---
"""Pipeline reference for scband-mean-layer-19095424598782 (READ-ONLY COPY).

The authoritative reference and input builder live on the scoring server;
editing this copy changes nothing except your own understanding.
"""

import jax, jax.numpy as jnp
import numpy as np

N_NODES = 10000
D_FEAT = 128
N_EDGES = 320000


def setup_inputs(seed: int = 0) -> dict:
    key = jax.random.key(seed)
    k1, k2 = jax.random.split(key)
    h = jax.random.normal(k1, (N_NODES, D_FEAT), dtype=jnp.float32)
    edge_index = jax.random.randint(k2, (2, N_EDGES), 0, N_NODES)
    return {"edge_index": edge_index, "h": h}


def reference(edge_index, h):
    # DGL update_all(copy_src('h','m'), mean('m','h_N')):
    # message: gather src node features along edges; reduce: mean per dst node.
    src = edge_index[0]
    dst = edge_index[1]
    msgs = jnp.take(h, src, axis=0)  # [E, D] gather
    sums = jax.ops.segment_sum(msgs, dst, num_segments=N_NODES)  # [N, D] scatter-add
    counts = jax.ops.segment_sum(jnp.ones((N_EDGES,), dtype=h.dtype), dst, num_segments=N_NODES)
    # nodes with no incoming edges get 0 (match dgl semantics of untouched h_N init)
    h_N = sums / jnp.maximum(counts, 1.0)[:, None]
    return h_N

if __name__ == "__main__":
    import jax
    _d = setup_inputs()
    print(jax.jit(kernel)(*tuple(_d.values())))

</pallas_src>

<mosaic_0001>
#map = affine_map<(d0, d1) -> (0, 0)>
module attributes {stable_mosaic.version = 14 : i64} {
  func.func @k(%arg0: i32, %arg1: i32, %arg2: memref<2560x125xi32, #tpu.memory_space<hbm>>, %arg3: memref<2560x125xi32, #tpu.memory_space<hbm>>, %arg4: memref<10000x64xf32, #tpu.memory_space<hbm>>, %arg5: memref<10000x64xf32, #tpu.memory_space<hbm>>, %arg6: memref<10240x128xf32, #tpu.memory_space<hbm>>, %arg7: memref<10240x64xf32, #tpu.memory_space<vmem_shared>>, %arg8: memref<10240x16xf32, #tpu.memory_space<vmem_shared>>, %arg9: memref<80x125xi32, #tpu.memory_space<vmem>>, %arg10: memref<80x125xi32, #tpu.memory_space<vmem>>, %arg11: memref<5x125x64xf32, #tpu.memory_space<vmem>>, %arg12: memref<125x16xf32, #tpu.memory_space<vmem>>, %arg13: memref<80x64xf32, #tpu.memory_space<vmem>>, %arg14: memref<80x16xf32, #tpu.memory_space<vmem>>, %arg15: memref<!tpu.dma_semaphore, #tpu.memory_space<semaphore_mem>>, %arg16: memref<!tpu.dma_semaphore, #tpu.memory_space<semaphore_mem>>, %arg17: memref<!tpu.dma_semaphore, #tpu.memory_space<semaphore_mem>>, %arg18: memref<!tpu.dma_semaphore, #tpu.memory_space<semaphore_mem>>, %arg19: memref<!tpu.dma_semaphore, #tpu.memory_space<semaphore_mem>>, %arg20: memref<!tpu.dma_semaphore, #tpu.memory_space<semaphore_mem>>, %arg21: memref<!tpu.dma_semaphore, #tpu.memory_space<semaphore_mem>>, %arg22: memref<!tpu.dma_semaphore, #tpu.memory_space<semaphore_mem>>, %arg23: memref<!tpu.dma_semaphore, #tpu.memory_space<semaphore_mem>>, %arg24: memref<!tpu.dma_semaphore, #tpu.memory_space<semaphore_mem>>, %arg25: memref<!tpu.dma_semaphore, #tpu.memory_space<semaphore_mem>>, %arg26: memref<!tpu.dma_semaphore, #tpu.memory_space<semaphore_mem>>, %arg27: memref<!tpu.dma_semaphore, #tpu.memory_space<semaphore_mem>>, %arg28: memref<!tpu.dma_semaphore, #tpu.memory_space<semaphore_mem>>, %arg29: memref<!tpu.dma_semaphore, #tpu.memory_space<semaphore_mem>>) attributes {dimension_semantics = [#tpu.dimension_semantics<core_parallel>, #tpu.dimension_semantics<subcore_parallel>], iteration_bounds = array<i64: 2, 16>, scalar_prefetch = 0 : i64, scratch_operands = 23 : i64, tpu.core_type = #tpu.core_type<sc_vector_subcore>, window_params = [{transform_indices = #map}, {transform_indices = #map}, {transform_indices = #map}, {transform_indices = #map}, {transform_indices = #map}]} {
    %mul3A = arith.constant 640 : i32
    %mul3A_0 = arith.muli %arg1, %mul3A : i32
    %mul3A_1 = arith.constant 160 : i32
    %mul3A_2 = arith.muli %arg1, %mul3A_1 : i32
    %dma_start3A = arith.constant 0 : i32
    %dma_start3A_3 = tpu.memref_slice %arg2[%mul3A_2, %dma_start3A] : memref<2560x125xi32, #tpu.memory_space<hbm>> -> memref<80x125xi32, #tpu.memory_space<hbm>>
    %dma_start3A_4 = arith.constant 0 : i32
    %dma_start3A_5 = tpu.memref_slice %arg2[%mul3A_2, %dma_start3A_4] : memref<2560x125xi32, #tpu.memory_space<hbm>> -> memref<80x125xi32, #tpu.memory_space<hbm>>
    tpu.enqueue_dma source(%dma_start3A_5 : memref<80x125xi32, #tpu.memory_space<hbm>>) target(%arg9 : memref<80x125xi32, #tpu.memory_space<vmem>>) target_semaphore(%arg15 : memref<!tpu.dma_semaphore, #tpu.memory_space<semaphore_mem>>)
    %dma_start3A_6 = arith.constant 0 : i32
    %dma_start3A_7 = tpu.memref_slice %arg3[%mul3A_2, %dma_start3A_6] : memref<2560x125xi32, #tpu.memory_space<hbm>> -> memref<80x125xi32, #tpu.memory_space<hbm>>
    %dma_start3A_8 = arith.constant 0 : i32
    %dma_start3A_9 = tpu.memref_slice %arg3[%mul3A_2, %dma_start3A_8] : memref<2560x125xi32, #tpu.memory_space<hbm>> -> memref<80x125xi32, #tpu.memory_space<hbm>>
    tpu.enqueue_dma source(%dma_start3A_9 : memref<80x125xi32, #tpu.memory_space<hbm>>) target(%arg10 : memref<80x125xi32, #tpu.memory_space<vmem>>) target_semaphore(%arg16 : memref<!tpu.dma_semaphore, #tpu.memory_space<semaphore_mem>>)
    %scan3A = arith.constant 0 : i32
    %scan3A_10 = arith.constant 125 : i32
    %scan3A_11 = arith.addi %scan3A, %scan3A_10 : i32
    %scan3A_12 = arith.constant 1 : i32
    scf.for %scan3A_35 = %scan3A to %scan3A_11 step %scan3A_12  : i32 {
      %mul3A_36 = arith.constant 1 : i32
      %mul3A_37 = arith.muli %scan3A_35, %mul3A_36 : i32
      %add3A = arith.constant 0 : i32
      %add3A_38 = arith.addi %add3A, %mul3A_37 : i32
      %broadcast_in_dim3A = arith.constant 1.000000e+00 : f32
      %broadcast_in_dim3A_39 = vector.broadcast %broadcast_in_dim3A : f32 to vector<16xf32>
      %swap3A = arith.index_cast %add3A_38 : i32 to index
      %swap3A_40 = arith.constant 0 : index
      %swap3A_41 = tpu.vector_load %arg12[%swap3A, %swap3A_40] {strides = array<i32>} : memref<125x16xf32, #tpu.memory_space<vmem>>, vector<1x16xf32>,
      %swap3A_42 = vector.shape_cast %swap3A_41 : vector<1x16xf32> to vector<16xf32>
      %swap3A_43 = vector.shape_cast %broadcast_in_dim3A_39 : vector<16xf32> to vector<1x16xf32>
      tpu.vector_store %arg12[%swap3A, %swap3A_40], %swap3A_43 {strides = array<i32>} : memref<125x16xf32, #tpu.memory_space<vmem>>, vector<1x16xf32>,
    }
    %scan3A_13 = arith.constant 125 : i32
    %scan3A_14 = arith.constant 0 : i32
    %scan3A_15 = arith.constant 80 : i32
    %scan3A_16 = arith.addi %scan3A_14, %scan3A_15 : i32
    %scan3A_17 = arith.constant 1 : i32
    scf.for %scan3A_35 = %scan3A_14 to %scan3A_16 step %scan3A_17  : i32 {
      %mul3A_36 = arith.constant 1 : i32
      %mul3A_37 = arith.muli %scan3A_35, %mul3A_36 : i32
      %add3A = arith.constant 0 : i32
      %add3A_38 = arith.addi %add3A, %mul3A_37 : i32
      %broadcast_in_dim3A = arith.constant 0.000000e+00 : f32
      %broadcast_in_dim3A_39 = vector.broadcast %broadcast_in_dim3A : f32 to vector<16xf32>
      %swap3A = arith.index_cast %add3A_38 : i32 to index
      %swap3A_40 = arith.constant 0 : index
      %swap3A_41 = tpu.vector_load %arg14[%swap3A, %swap3A_40] {strides = array<i32>} : memref<80x16xf32, #tpu.memory_space<vmem>>, vector<1x16xf32>,
      %swap3A_42 = vector.shape_cast %swap3A_41 : vector<1x16xf32> to vector<16xf32>
      %swap3A_43 = vector.shape_cast %broadcast_in_dim3A_39 : vector<16xf32> to vector<1x16xf32>
      tpu.vector_store %arg14[%swap3A, %swap3A_40], %swap3A_43 {strides = array<i32>} : memref<80x16xf32, #tpu.memory_space<vmem>>, vector<1x16xf32>,
      %broadcast_in_dim3A_44 = arith.constant 0.000000e+00 : f32
      %broadcast_in_dim3A_45 = vector.broadcast %broadcast_in_dim3A_44 : f32 to vector<16xf32>
      %swap3A_46 = arith.index_cast %add3A_38 : i32 to index
      %swap3A_47 = arith.constant 0 : index
      %swap3A_48 = tpu.vector_load %arg13[%swap3A_46, %swap3A_47] {strides = array<i32>} : memref<80x64xf32, #tpu.memory_space<vmem>>, vector<1x16xf32>,
      %swap3A_49 = vector.shape_cast %swap3A_48 : vector<1x16xf32> to vector<16xf32>
      %swap3A_50 = vector.shape_cast %broadcast_in_dim3A_45 : vector<16xf32> to vector<1x16xf32>
      tpu.vector_store %arg13[%swap3A_46, %swap3A_47], %swap3A_50 {strides = array<i32>} : memref<80x64xf32, #tpu.memory_space<vmem>>, vector<1x16xf32>,
      %broadcast_in_dim3A_51 = arith.constant 0.000000e+00 : f32
      %broadcast_in_dim3A_52 = vector.broadcast %broadcast_in_dim3A_51 : f32 to vector<16xf32>
      %swap3A_53 = arith.index_cast %add3A_38 : i32 to index
      %swap3A_54 = arith.constant 16 : index
      %swap3A_55 = tpu.vector_load %arg13[%swap3A_53, %swap3A_54] {strides = array<i32>} : memref<80x64xf32, #tpu.memory_space<vmem>>, vector<1x16xf32>,
      %swap3A_56 = vector.shape_cast %swap3A_55 : vector<1x16xf32> to vector<16xf32>
      %swap3A_57 = vector.shape_cast %broadcast_in_dim3A_52 : vector<16xf32> to vector<1x16xf32>
      tpu.vector_store %arg13[%swap3A_53, %swap3A_54], %swap3A_57 {strides = array<i32>} : memref<80x64xf32, #tpu.memory_space<vmem>>, vector<1x16xf32>,
      %broadcast_in_dim3A_58 = arith.constant 0.000000e+00 : f32
      %broadcast_in_dim3A_59 = vector.broadcast %broadcast_in_dim3A_58 : f32 to vector<16xf32>
      %swap3A_60 = arith.index_cast %add3A_38 : i32 to index
      %swap3A_61 = arith.constant 32 : index
      %swap3A_62 = tpu.vector_load %arg13[%swap3A_60, %swap3A_61] {strides = array<i32>} : memref<80x64xf32, #tpu.memory_space<vmem>>, vector<1x16xf32>,
      %swap3A_63 = vector.shape_cast %swap3A_62 : vector<1x16xf32> to vector<16xf32>
      %swap3A_64 = vector.shape_cast %broadcast_in_dim3A_59 : vector<16xf32> to vector<1x16xf32>
      tpu.vector_store %arg13[%swap3A_60, %swap3A_61], %swap3A_64 {strides = array<i32>} : memref<80x64xf32, #tpu.memory_space<vmem>>, vector<1x16xf32>,
      %broadcast_in_dim3A_65 = arith.constant 0.000000e+00 : f32
      %broadcast_in_dim3A_66 = vector.broadcast %broadcast_in_dim3A_65 : f32 to vector<16xf32>
      %swap3A_67 = arith.index_cast %add3A_38 : i32 to index
      %swap3A_68 = arith.constant 48 : index
      %swap3A_69 = tpu.vector_load %arg13[%swap3A_67, %swap3A_68] {strides = array<i32>} : memref<80x64xf32, #tpu.memory_space<vmem>>, vector<1x16xf32>,
      %swap3A_70 = vector.shape_cast %swap3A_69 : vector<1x16xf32> to vector<16xf32>
      %swap3A_71 = vector.shape_cast %broadcast_in_dim3A_66 : vector<16xf32> to vector<1x16xf32>
      tpu.vector_store %arg13[%swap3A_67, %swap3A_68], %swap3A_71 {strides = array<i32>} : memref<80x64xf32, #tpu.memory_space<vmem>>, vector<1x16xf32>,
    }
    %scan3A_18 = arith.constant 80 : i32
    %scan3A_19 = arith.constant 0 : i32
    %scan3A_20 = arith.constant 8 : i32
    %scan3A_21 = arith.addi %scan3A_19, %scan3A_20 : i32
    %scan3A_22 = arith.constant 1 : i32
    scf.for %scan3A_35 = %scan3A_19 to %scan3A_21 step %scan3A_22  : i32 {
      %mul3A_36 = arith.constant 80 : i32
      %mul3A_37 = arith.muli %scan3A_35, %mul3A_36 : i32
      %add3A = arith.constant 0 : i32
      %add3A_38 = arith.addi %add3A, %mul3A_37 : i32
      %add3A_39 = arith.addi %mul3A_0, %add3A_38 : i32
      "tpu.region"() ({
        %run_scoped3A = tpu.sem_alloc : memref<!tpu.dma_semaphore, #tpu.memory_space<semaphore_mem>>
        %dma_start3A_41 = arith.constant 0 : i32
        %dma_start3A_42 = tpu.memref_slice %arg7[%add3A_39, %dma_start3A_41] : memref<10240x64xf32, #tpu.memory_space<vmem_shared>> -> memref<80x64xf32, #tpu.memory_space<vmem_shared>>
        %dma_start3A_43 = arith.constant 0 : i32
        %dma_start3A_44 = tpu.memref_slice %arg7[%add3A_39, %dma_start3A_43] : memref<10240x64xf32, #tpu.memory_space<vmem_shared>> -> memref<80x64xf32, #tpu.memory_space<vmem_shared>>
        tpu.enqueue_dma source(%arg13 : memref<80x64xf32, #tpu.memory_space<vmem>>) target(%dma_start3A_44 : memref<80x64xf32, #tpu.memory_space<vmem_shared>>) target_semaphore(%run_scoped3A : memref<!tpu.dma_semaphore, #tpu.memory_space<semaphore_mem>>)
        %dma_wait3A = arith.constant 0 : i32
        %dma_wait3A_45 = tpu.memref_slice %arg7[%add3A_39, %dma_wait3A] : memref<10240x64xf32, #tpu.memory_space<vmem_shared>> -> memref<80x64xf32, #tpu.memory_space<vmem_shared>>
        %dma_wait3A_46 = arith.constant 0 : i32
        %dma_wait3A_47 = tpu.memref_slice %arg7[%add3A_39, %dma_wait3A_46] : memref<10240x64xf32, #tpu.memory_space<vmem_shared>> -> memref<80x64xf32, #tpu.memory_space<vmem_shared>>
        tpu.wait_dma2 semaphore(%run_scoped3A : memref<!tpu.dma_semaphore, #tpu.memory_space<semaphore_mem>>) src(%arg13 : memref<80x64xf32, #tpu.memory_space<vmem>>) dst(%dma_wait3A_47 : memref<80x64xf32, #tpu.memory_space<vmem_shared>>)
        tpu.yield
      }) : () -> ()
      %add3A_40 = arith.addi %mul3A_0, %add3A_38 : i32
      "tpu.region"() ({
        %run_scoped3A = tpu.sem_alloc : memref<!tpu.dma_semaphore, #tpu.memory_space<semaphore_mem>>
        %dma_start3A_41 = arith.constant 0 : i32
        %dma_start3A_42 = tpu.memref_slice %arg8[%add3A_40, %dma_start3A_41] : memref<10240x16xf32, #tpu.memory_space<vmem_shared>> -> memref<80x16xf32, #tpu.memory_space<vmem_shared>>
        %dma_start3A_43 = arith.constant 0 : i32
        %dma_start3A_44 = tpu.memref_slice %arg8[%add3A_40, %dma_start3A_43] : memref<10240x16xf32, #tpu.memory_space<vmem_shared>> -> memref<80x16xf32, #tpu.memory_space<vmem_shared>>
        tpu.enqueue_dma source(%arg14 : memref<80x16xf32, #tpu.memory_space<vmem>>) target(%dma_start3A_44 : memref<80x16xf32, #tpu.memory_space<vmem_shared>>) target_semaphore(%run_scoped3A : memref<!tpu.dma_semaphore, #tpu.memory_space<semaphore_mem>>)
        %dma_wait3A = arith.constant 0 : i32
        %dma_wait3A_45 = tpu.memref_slice %arg8[%add3A_40, %dma_wait3A] : memref<10240x16xf32, #tpu.memory_space<vmem_shared>> -> memref<80x16xf32, #tpu.memory_space<vmem_shared>>
        %dma_wait3A_46 = arith.constant 0 : i32
        %dma_wait3A_47 = tpu.memref_slice %arg8[%add3A_40, %dma_wait3A_46] : memref<10240x16xf32, #tpu.memory_space<vmem_shared>> -> memref<80x16xf32, #tpu.memory_space<vmem_shared>>
        tpu.wait_dma2 semaphore(%run_scoped3A : memref<!tpu.dma_semaphore, #tpu.memory_space<semaphore_mem>>) src(%arg14 : memref<80x16xf32, #tpu.memory_space<vmem>>) dst(%dma_wait3A_47 : memref<80x16xf32, #tpu.memory_space<vmem_shared>>)
        tpu.yield
      }) : () -> ()
    }
    %scan3A_23 = arith.constant 8 : i32
    %barrier3A = arith.constant 0 : index
    tpu.barrier barrier_id(%barrier3A)
    %scan3A_24 = arith.constant 0 : i32
    %scan3A_25 = arith.constant 2 : i32
    %scan3A_26 = arith.addi %scan3A_24, %scan3A_25 : i32
    %scan3A_27 = arith.constant 1 : i32
    scf.for %scan3A_35 = %scan3A_24 to %scan3A_26 step %scan3A_27  : i32 {
      %mul3A_36 = arith.constant 1 : i32
      %mul3A_37 = arith.muli %scan3A_35, %mul3A_36 : i32
      %add3A = arith.constant 0 : i32
      %add3A_38 = arith.addi %add3A, %mul3A_37 : i32
      %mul3A_39 = arith.constant 80 : i32
      %mul3A_40 = arith.muli %add3A_38, %mul3A_39 : i32
      %add3A_41 = arith.addi %mul3A_2, %mul3A_40 : i32
      %gt3A = arith.constant 0 : i32
      %gt3A_42 = arith.cmpi sgt, %add3A_38, %gt3A : i32
      %convert_element_type3A = arith.extui %gt3A_42 : i1 to i32
      %cond3A = arith.constant 0 : i32
      %cond3A_43 = arith.cmpi ne, %convert_element_type3A, %cond3A : i32
      scf.if %cond3A_43 {
        %dma_start3A_114 = arith.constant 0 : i32
        %dma_start3A_115 = tpu.memref_slice %arg2[%add3A_41, %dma_start3A_114] : memref<2560x125xi32, #tpu.memory_space<hbm>> -> memref<80x125xi32, #tpu.memory_space<hbm>>
        %dma_start3A_116 = arith.constant 0 : i32
        %dma_start3A_117 = tpu.memref_slice %arg2[%add3A_41, %dma_start3A_116] : memref<2560x125xi32, #tpu.memory_space<hbm>> -> memref<80x125xi32, #tpu.memory_space<hbm>>
        tpu.enqueue_dma source(%dma_start3A_117 : memref<80x125xi32, #tpu.memory_space<hbm>>) target(%arg9 : memref<80x125xi32, #tpu.memory_space<vmem>>) target_semaphore(%arg15 : memref<!tpu.dma_semaphore, #tpu.memory_space<semaphore_mem>>)
        %dma_start3A_118 = arith.constant 0 : i32
        %dma_start3A_119 = tpu.memref_slice %arg3[%add3A_41, %dma_start3A_118] : memref<2560x125xi32, #tpu.memory_space<hbm>> -> memref<80x125xi32, #tpu.memory_space<hbm>>
        %dma_start3A_120 = arith.constant 0 : i32
        %dma_start3A_121 = tpu.memref_slice %arg3[%add3A_41, %dma_start3A_120] : memref<2560x125xi32, #tpu.memory_space<hbm>> -> memref<80x125xi32, #tpu.memory_space<hbm>>
        tpu.enqueue_dma source(%dma_start3A_121 : memref<80x125xi32, #tpu.memory_space<hbm>>) target(%arg10 : memref<80x125xi32, #tpu.memory_space<vmem>>) target_semaphore(%arg16 : memref<!tpu.dma_semaphore, #tpu.memory_space<semaphore_mem>>)
      } else {
      }
      %dma_wait3A = arith.constant 0 : i32
      %dma_wait3A_44 = tpu.memref_slice %arg2[%add3A_41, %dma_wait3A] : memref<2560x125xi32, #tpu.memory_space<hbm>> -> memref<80x125xi32, #tpu.memory_space<hbm>>
      %dma_wait3A_45 = arith.constant 0 : i32
      %dma_wait3A_46 = tpu.memref_slice %arg2[%add3A_41, %dma_wait3A_45] : memref<2560x125xi32, #tpu.memory_space<hbm>> -> memref<80x125xi32, #tpu.memory_space<hbm>>
      tpu.wait_dma2 semaphore(%arg15 : memref<!tpu.dma_semaphore, #tpu.memory_space<semaphore_mem>>) src(%dma_wait3A_46 : memref<80x125xi32, #tpu.memory_space<hbm>>) dst(%arg9 : memref<80x125xi32, #tpu.memory_space<vmem>>)
      %dma_wait3A_47 = arith.constant 0 : i32
      %dma_wait3A_48 = tpu.memref_slice %arg3[%add3A_41, %dma_wait3A_47] : memref<2560x125xi32, #tpu.memory_space<hbm>> -> memref<80x125xi32, #tpu.memory_space<hbm>>
      %dma_wait3A_49 = arith.constant 0 : i32
      %dma_wait3A_50 = tpu.memref_slice %arg3[%add3A_41, %dma_wait3A_49] : memref<2560x125xi32, #tpu.memory_space<hbm>> -> memref<80x125xi32, #tpu.memory_space<hbm>>
      tpu.wait_dma2 semaphore(%arg16 : memref<!tpu.dma_semaphore, #tpu.memory_space<semaphore_mem>>) src(%dma_wait3A_50 : memref<80x125xi32, #tpu.memory_space<hbm>>) dst(%arg10 : memref<80x125xi32, #tpu.memory_space<vmem>>)
      %eq3A = arith.constant 0 : i32
      %eq3A_51 = arith.cmpi eq, %arg0, %eq3A : i32
      %convert_element_type3A_52 = arith.extui %eq3A_51 : i1 to i32
      %cond3A_53 = arith.constant 0 : i32
      %cond3A_54 = arith.cmpi ne, %convert_element_type3A_52, %cond3A_53 : i32
      scf.if %cond3A_54 {
        %dma_start3A_114 = arith.constant 0 : i32
        %dma_start3A_115 = arith.constant 0 : i32
        %dma_start3A_116 = arith.constant 0 : i32
        %dma_start3A_117 = arith.constant 0 : i32
        %dma_start3A_118 = tpu.memref_slice %arg11[%dma_start3A_115, %dma_start3A_116, %dma_start3A_117] : memref<5x125x64xf32, #tpu.memory_space<vmem>> -> memref<1x125x64xf32, #tpu.memory_space<vmem>>
        %dma_start3A_119 = tpu.memref_squeeze %dma_start3A_118 : memref<1x125x64xf32, #tpu.memory_space<vmem>> -> memref<125x64xf32, #tpu.memory_space<vmem>>
        %dma_start3A_120 = arith.constant 0 : i32
        %dma_start3A_121 = tpu.memref_slice %arg9[%dma_start3A_114, %dma_start3A_120] : memref<80x125xi32, #tpu.memory_space<vmem>> -> memref<1x125xi32, #tpu.memory_space<vmem>>
        %dma_start3A_122 = tpu.memref_squeeze %dma_start3A_121 : memref<1x125xi32, #tpu.memory_space<vmem>> -> memref<125xi32, #tpu.memory_space<vmem>>
        %dma_start3A_123 = arith.constant 0 : i32
        %dma_start3A_124 = arith.constant 0 : i32
        %dma_start3A_125 = tpu.memref_slice %arg4[%dma_start3A_123, %dma_start3A_124] : memref<10000x64xf32, #tpu.memory_space<hbm>> -> memref<10000x64xf32, #tpu.memory_space<hbm>>
        tpu.enqueue_indirect_dma source(%dma_start3A_125 : memref<10000x64xf32, #tpu.memory_space<hbm>>) target(%dma_start3A_119 : memref<125x64xf32, #tpu.memory_space<vmem>>) offsets(%dma_start3A_122 : memref<125xi32, #tpu.memory_space<vmem>>) semaphore(%arg15 : memref<!tpu.dma_semaphore, #tpu.memory_space<semaphore_mem>>)
      } else {
      }
      %eq3A_55 = arith.constant 1 : i32
      %eq3A_56 = arith.cmpi eq, %arg0, %eq3A_55 : i32
      %convert_element_type3A_57 = arith.extui %eq3A_56 : i1 to i32
      %cond3A_58 = arith.constant 0 : i32
      %cond3A_59 = arith.cmpi ne, %convert_element_type3A_57, %cond3A_58 : i32
      scf.if %cond3A_59 {
        %dma_start3A_114 = arith.constant 0 : i32
        %dma_start3A_115 = arith.constant 0 : i32
        %dma_start3A_116 = arith.constant 0 : i32
        %dma_start3A_117 = arith.constant 0 : i32
        %dma_start3A_118 = tpu.memref_slice %arg11[%dma_start3A_115, %dma_start3A_116, %dma_start3A_117] : memref<5x125x64xf32, #tpu.memory_space<vmem>> -> memref<1x125x64xf32, #tpu.memory_space<vmem>>
        %dma_start3A_119 = tpu.memref_squeeze %dma_start3A_118 : memref<1x125x64xf32, #tpu.memory_space<vmem>> -> memref<125x64xf32, #tpu.memory_space<vmem>>
        %dma_start3A_120 = arith.constant 0 : i32
        %dma_start3A_121 = tpu.memref_slice %arg9[%dma_start3A_114, %dma_start3A_120] : memref<80x125xi32, #tpu.memory_space<vmem>> -> memref<1x125xi32, #tpu.memory_space<vmem>>
        %dma_start3A_122 = tpu.memref_squeeze %dma_start3A_121 : memref<1x125xi32, #tpu.memory_space<vmem>> -> memref<125xi32, #tpu.memory_space<vmem>>
        %dma_start3A_123 = arith.constant 0 : i32
        %dma_start3A_124 = arith.constant 0 : i32
        %dma_start3A_125 = tpu.memref_slice %arg5[%dma_start3A_123, %dma_start3A_124] : memref<10000x64xf32, #tpu.memory_space<hbm>> -> memref<10000x64xf32, #tpu.memory_space<hbm>>
        tpu.enqueue_indirect_dma source(%dma_start3A_125 : memref<10000x64xf32, #tpu.memory_space<hbm>>) target(%dma_start3A_119 : memref<125x64xf32, #tpu.memory_space<vmem>>) offsets(%dma_start3A_122 : memref<125xi32, #tpu.memory_space<vmem>>) semaphore(%arg15 : memref<!tpu.dma_semaphore, #tpu.memory_space<semaphore_mem>>)
      } else {
      }
      %eq3A_60 = arith.constant 0 : i32
      %eq3A_61 = arith.cmpi eq, %arg0, %eq3A_60 : i32
      %convert_element_type3A_62 = arith.extui %eq3A_61 : i1 to i32
      %cond3A_63 = arith.constant 0 : i32
      %cond3A_64 = arith.cmpi ne, %convert_element_type3A_62, %cond3A_63 : i32
      scf.if %cond3A_64 {
        %dma_start3A_114 = arith.constant 1 : i32
        %dma_start3A_115 = arith.constant 1 : i32
        %dma_start3A_116 = arith.constant 0 : i32
        %dma_start3A_117 = arith.constant 0 : i32
        %dma_start3A_118 = tpu.memref_slice %arg11[%dma_start3A_115, %dma_start3A_116, %dma_start3A_117] : memref<5x125x64xf32, #tpu.memory_space<vmem>> -> memref<1x125x64xf32, #tpu.memory_space<vmem>>
        %dma_start3A_119 = tpu.memref_squeeze %dma_start3A_118 : memref<1x125x64xf32, #tpu.memory_space<vmem>> -> memref<125x64xf32, #tpu.memory_space<vmem>>
        %dma_start3A_120 = arith.constant 0 : i32
        %dma_start3A_121 = tpu.memref_slice %arg9[%dma_start3A_114, %dma_start3A_120] : memref<80x125xi32, #tpu.memory_space<vmem>> -> memref<1x125xi32, #tpu.memory_space<vmem>>
        %dma_start3A_122 = tpu.memref_squeeze %dma_start3A_121 : memref<1x125xi32, #tpu.memory_space<vmem>> -> memref<125xi32, #tpu.memory_space<vmem>>
        %dma_start3A_123 = arith.constant 0 : i32
        %dma_start3A_124 = arith.constant 0 : i32
        %dma_start3A_125 = tpu.memref_slice %arg4[%dma_start3A_123, %dma_start3A_124] : memref<10000x64xf32, #tpu.memory_space<hbm>> -> memref<10000x64xf32, #tpu.memory_space<hbm>>
        tpu.enqueue_indirect_dma source(%dma_start3A_125 : memref<10000x64xf32, #tpu.memory_space<hbm>>) target(%dma_start3A_119 : memref<125x64xf32, #tpu.memory_space<vmem>>) offsets(%dma_start3A_122 : memref<125xi32, #tpu.memory_space<vmem>>) semaphore(%arg16 : memref<!tpu.dma_semaphore, #tpu.memory_space<semaphore_mem>>)
      } else {
      }
      %eq3A_65 = arith.constant 1 : i32
      %eq3A_66 = arith.cmpi eq, %arg0, %eq3A_65 : i32
      %convert_element_type3A_67 = arith.extui %eq3A_66 : i1 to i32
      %cond3A_68 = arith.constant 0 : i32
      %cond3A_69 = arith.cmpi ne, %convert_element_type3A_67, %cond3A_68 : i32
      scf.if %cond3A_69 {
        %dma_start3A_114 = arith.constant 1 : i32
        %dma_start3A_115 = arith.constant 1 : i32
        %dma_start3A_116 = arith.constant 0 : i32
        %dma_start3A_117 = arith.constant 0 : i32
        %dma_start3A_118 = tpu.memref_slice %arg11[%dma_start3A_115, %dma_start3A_116, %dma_start3A_117] : memref<5x125x64xf32, #tpu.memory_space<vmem>> -> memref<1x125x64xf32, #tpu.memory_space<vmem>>
        %dma_start3A_119 = tpu.memref_squeeze %dma_start3A_118 : memref<1x125x64xf32, #tpu.memory_space<vmem>> -> memref<125x64xf32, #tpu.memory_space<vmem>>
        %dma_start3A_120 = arith.constant 0 : i32
        %dma_start3A_121 = tpu.memref_slice %arg9[%dma_start3A_114, %dma_start3A_120] : memref<80x125xi32, #tpu.memory_space<vmem>> -> memref<1x125xi32, #tpu.memory_space<vmem>>
        %dma_start3A_122 = tpu.memref_squeeze %dma_start3A_121 : memref<1x125xi32, #tpu.memory_space<vmem>> -> memref<125xi32, #tpu.memory_space<vmem>>
        %dma_start3A_123 = arith.constant 0 : i32
        %dma_start3A_124 = arith.constant 0 : i32
        %dma_start3A_125 = tpu.memref_slice %arg5[%dma_start3A_123, %dma_start3A_124] : memref<10000x64xf32, #tpu.memory_space<hbm>> -> memref<10000x64xf32, #tpu.memory_space<hbm>>
        tpu.enqueue_indirect_dma source(%dma_start3A_125 : memref<10000x64xf32, #tpu.memory_space<hbm>>) target(%dma_start3A_119 : memref<125x64xf32, #tpu.memory_space<vmem>>) offsets(%dma_start3A_122 : memref<125xi32, #tpu.memory_space<vmem>>) semaphore(%arg16 : memref<!tpu.dma_semaphore, #tpu.memory_space<semaphore_mem>>)
      } else {
      }
      %eq3A_70 = arith.constant 0 : i32
      %eq3A_71 = arith.cmpi eq, %arg0, %eq3A_70 : i32
      %convert_element_type3A_72 = arith.extui %eq3A_71 : i1 to i32
      %cond3A_73 = arith.constant 0 : i32
      %cond3A_74 = arith.cmpi ne, %convert_element_type3A_72, %cond3A_73 : i32
      scf.if %cond3A_74 {
        %dma_start3A_114 = arith.constant 2 : i32
        %dma_start3A_115 = arith.constant 2 : i32
        %dma_start3A_116 = arith.constant 0 : i32
        %dma_start3A_117 = arith.constant 0 : i32
        %dma_start3A_118 = tpu.memref_slice %arg11[%dma_start3A_115, %dma_start3A_116, %dma_start3A_117] : memref<5x125x64xf32, #tpu.memory_space<vmem>> -> memref<1x125x64xf32, #tpu.memory_space<vmem>>
        %dma_start3A_119 = tpu.memref_squeeze %dma_start3A_118 : memref<1x125x64xf32, #tpu.memory_space<vmem>> -> memref<125x64xf32, #tpu.memory_space<vmem>>
        %dma_start3A_120 = arith.constant 0 : i32
        %dma_start3A_121 = tpu.memref_slice %arg9[%dma_start3A_114, %dma_start3A_120] : memref<80x125xi32, #tpu.memory_space<vmem>> -> memref<1x125xi32, #tpu.memory_space<vmem>>
        %dma_start3A_122 = tpu.memref_squeeze %dma_start3A_121 : memref<1x125xi32, #tpu.memory_space<vmem>> -> memref<125xi32, #tpu.memory_space<vmem>>
        %dma_start3A_123 = arith.constant 0 : i32
        %dma_start3A_124 = arith.constant 0 : i32
        %dma_start3A_125 = tpu.memref_slice %arg4[%dma_start3A_123, %dma_start3A_124] : memref<10000x64xf32, #tpu.memory_space<hbm>> -> memref<10000x64xf32, #tpu.memory_space<hbm>>
        tpu.enqueue_indirect_dma source(%dma_start3A_125 : memref<10000x64xf32, #tpu.memory_space<hbm>>) target(%dma_start3A_119 : memref<125x64xf32, #tpu.memory_space<vmem>>) offsets(%dma_start3A_122 : memref<125xi32, #tpu.memory_space<vmem>>) semaphore(%arg17 : memref<!tpu.dma_semaphore, #tpu.memory_space<semaphore_mem>>)
      } else {
      }
      %eq3A_75 = arith.constant 1 : i32
      %eq3A_76 = arith.cmpi eq, %arg0, %eq3A_75 : i32
      %convert_element_type3A_77 = arith.extui %eq3A_76 : i1 to i32
      %cond3A_78 = arith.constant 0 : i32
      %cond3A_79 = arith.cmpi ne, %convert_element_type3A_77, %cond3A_78 : i32
      scf.if %cond3A_79 {
        %dma_start3A_114 = arith.constant 2 : i32
        %dma_start3A_115 = arith.constant 2 : i32
        %dma_start3A_116 = arith.constant 0 : i32
        %dma_start3A_117 = arith.constant 0 : i32
        %dma_start3A_118 = tpu.memref_slice %arg11[%dma_start3A_115, %dma_start3A_116, %dma_start3A_117] : memref<5x125x64xf32, #tpu.memory_space<vmem>> -> memref<1x125x64xf32, #tpu.memory_space<vmem>>
        %dma_start3A_119 = tpu.memref_squeeze %dma_start3A_118 : memref<1x125x64xf32, #tpu.memory_space<vmem>> -> memref<125x64xf32, #tpu.memory_space<vmem>>
        %dma_start3A_120 = arith.constant 0 : i32
        %dma_start3A_121 = tpu.memref_slice %arg9[%dma_start3A_114, %dma_start3A_120] : memref<80x125xi32, #tpu.memory_space<vmem>> -> memref<1x125xi32, #tpu.memory_space<vmem>>
        %dma_start3A_122 = tpu.memref_squeeze %dma_start3A_121 : memref<1x125xi32, #tpu.memory_space<vmem>> -> memref<125xi32, #tpu.memory_space<vmem>>
        %dma_start3A_123 = arith.constant 0 : i32
        %dma_start3A_124 = arith.constant 0 : i32
        %dma_start3A_125 = tpu.memref_slice %arg5[%dma_start3A_123, %dma_start3A_124] : memref<10000x64xf32, #tpu.memory_space<hbm>> -> memref<10000x64xf32, #tpu.memory_space<hbm>>
        tpu.enqueue_indirect_dma source(%dma_start3A_125 : memref<10000x64xf32, #tpu.memory_space<hbm>>) target(%dma_start3A_119 : memref<125x64xf32, #tpu.memory_space<vmem>>) offsets(%dma_start3A_122 : memref<125xi32, #tpu.memory_space<vmem>>) semaphore(%arg17 : memref<!tpu.dma_semaphore, #tpu.memory_space<semaphore_mem>>)
      } else {
      }
      %eq3A_80 = arith.constant 0 : i32
      %eq3A_81 = arith.cmpi eq, %arg0, %eq3A_80 : i32
      %convert_element_type3A_82 = arith.extui %eq3A_81 : i1 to i32
      %cond3A_83 = arith.constant 0 : i32
      %cond3A_84 = arith.cmpi ne, %convert_element_type3A_82, %cond3A_83 : i32
      scf.if %cond3A_84 {
        %dma_start3A_114 = arith.constant 3 : i32
        %dma_start3A_115 = arith.constant 3 : i32
        %dma_start3A_116 = arith.constant 0 : i32
        %dma_start3A_117 = arith.constant 0 : i32
        %dma_start3A_118 = tpu.memref_slice %arg11[%dma_start3A_115, %dma_start3A_116, %dma_start3A_117] : memref<5x125x64xf32, #tpu.memory_space<vmem>> -> memref<1x125x64xf32, #tpu.memory_space<vmem>>
        %dma_start3A_119 = tpu.memref_squeeze %dma_start3A_118 : memref<1x125x64xf32, #tpu.memory_space<vmem>> -> memref<125x64xf32, #tpu.memory_space<vmem>>
        %dma_start3A_120 = arith.constant 0 : i32
        %dma_start3A_121 = tpu.memref_slice %arg9[%dma_start3A_114, %dma_start3A_120] : memref<80x125xi32, #tpu.memory_space<vmem>> -> memref<1x125xi32, #tpu.memory_space<vmem>>
        %dma_start3A_122 = tpu.memref_squeeze %dma_start3A_121 : memref<1x125xi32, #tpu.memory_space<vmem>> -> memref<125xi32, #tpu.memory_space<vmem>>
        %dma_start3A_123 = arith.constant 0 : i32
        %dma_start3A_124 = arith.constant 0 : i32
        %dma_start3A_125 = tpu.memref_slice %arg4[%dma_start3A_123, %dma_start3A_124] : memref<10000x64xf32, #tpu.memory_space<hbm>> -> memref<10000x64xf32, #tpu.memory_space<hbm>>
        tpu.enqueue_indirect_dma source(%dma_start3A_125 : memref<10000x64xf32, #tpu.memory_space<hbm>>) target(%dma_start3A_119 : memref<125x64xf32, #tpu.memory_space<vmem>>) offsets(%dma_start3A_122 : memref<125xi32, #tpu.memory_space<vmem>>) semaphore(%arg18 : memref<!tpu.dma_semaphore, #tpu.memory_space<semaphore_mem>>)
      } else {
      }
      %eq3A_85 = arith.constant 1 : i32
      %eq3A_86 = arith.cmpi eq, %arg0, %eq3A_85 : i32
      %convert_element_type3A_87 = arith.extui %eq3A_86 : i1 to i32
      %cond3A_88 = arith.constant 0 : i32
      %cond3A_89 = arith.cmpi ne, %convert_element_type3A_87, %cond3A_88 : i32
      scf.if %cond3A_89 {
        %dma_start3A_114 = arith.constant 3 : i32
        %dma_start3A_115 = arith.constant 3 : i32
        %dma_start3A_116 = arith.constant 0 : i32
        %dma_start3A_117 = arith.constant 0 : i32
        %dma_start3A_118 = tpu.memref_slice %arg11[%dma_start3A_115, %dma_start3A_116, %dma_start3A_117] : memref<5x125x64xf32, #tpu.memory_space<vmem>> -> memref<1x125x64xf32, #tpu.memory_space<vmem>>
        %dma_start3A_119 = tpu.memref_squeeze %dma_start3A_118 : memref<1x125x64xf32, #tpu.memory_space<vmem>> -> memref<125x64xf32, #tpu.memory_space<vmem>>
        %dma_start3A_120 = arith.constant 0 : i32
        %dma_start3A_121 = tpu.memref_slice %arg9[%dma_start3A_114, %dma_start3A_120] : memref<80x125xi32, #tpu.memory_space<vmem>> -> memref<1x125xi32, #tpu.memory_space<vmem>>
        %dma_start3A_122 = tpu.memref_squeeze %dma_start3A_121 : memref<1x125xi32, #tpu.memory_space<vmem>> -> memref<125xi32, #tpu.memory_space<vmem>>
        %dma_start3A_123 = arith.constant 0 : i32
        %dma_start3A_124 = arith.constant 0 : i32
        %dma_start3A_125 = tpu.memref_slice %arg5[%dma_start3A_123, %dma_start3A_124] : memref<10000x64xf32, #tpu.memory_space<hbm>> -> memref<10000x64xf32, #tpu.memory_space<hbm>>
        tpu.enqueue_indirect_dma source(%dma_start3A_125 : memref<10000x64xf32, #tpu.memory_space<hbm>>) target(%dma_start3A_119 : memref<125x64xf32, #tpu.memory_space<vmem>>) offsets(%dma_start3A_122 : memref<125xi32, #tpu.memory_space<vmem>>) semaphore(%arg18 : memref<!tpu.dma_semaphore, #tpu.memory_space<semaphore_mem>>)
      } else {
      }
      %scan3A_90 = arith.constant 0 : i32
      %scan3A_91 = arith.constant 16 : i32
      %scan3A_92 = arith.addi %scan3A_90, %scan3A_91 : i32
      %scan3A_93 = arith.constant 1 : i32
      scf.for %scan3A_114 = %scan3A_90 to %scan3A_92 step %scan3A_93  : i32 {
        %mul3A_115 = arith.constant 5 : i32
        %mul3A_116 = arith.muli %scan3A_114, %mul3A_115 : i32
        %add3A_117 = arith.constant 0 : i32
        %add3A_118 = arith.addi %add3A_117, %mul3A_116 : i32
        %add3A_119 = arith.constant 0 : i32
        %add3A_120 = arith.addi %add3A_118, %add3A_119 : i32
        %dma_wait3A_121 = arith.constant 0 : i32
        %dma_wait3A_122 = arith.constant 0 : i32
        %dma_wait3A_123 = arith.constant 0 : i32
        %dma_wait3A_124 = tpu.memref_slice %arg11[%dma_wait3A_121, %dma_wait3A_122, %dma_wait3A_123] : memref<5x125x64xf32, #tpu.memory_space<vmem>> -> memref<1x125x64xf32, #tpu.memory_space<vmem>>
        %dma_wait3A_125 = tpu.memref_squeeze %dma_wait3A_124 : memref<1x125x64xf32, #tpu.memory_space<vmem>> -> memref<125x64xf32, #tpu.memory_space<vmem>>
        %dma_wait3A_126 = arith.constant 0 : i32
        %dma_wait3A_127 = tpu.memref_slice %arg9[%add3A_120, %dma_wait3A_126] : memref<80x125xi32, #tpu.memory_space<vmem>> -> memref<1x125xi32, #tpu.memory_space<vmem>>
        %dma_wait3A_128 = tpu.memref_squeeze %dma_wait3A_127 : memref<1x125xi32, #tpu.memory_space<vmem>> -> memref<125xi32, #tpu.memory_space<vmem>>
        %dma_wait3A_129 = arith.constant 0 : i32
        %dma_wait3A_130 = arith.constant 0 : i32
        %dma_wait3A_131 = tpu.memref_slice %arg4[%dma_wait3A_129, %dma_wait3A_130] : memref<10000x64xf32, #tpu.memory_space<hbm>> -> memref<10000x64xf32, #tpu.memory_space<hbm>>
        tpu.wait_indirect_dma semaphore(%arg15 : memref<!tpu.dma_semaphore, #tpu.memory_space<semaphore_mem>>) src(%dma_wait3A_131 : memref<10000x64xf32, #tpu.memory_space<hbm>>) dst(%dma_wait3A_125 : memref<125x64xf32, #tpu.memory_space<vmem>>)
        %dma_start3A_132 = arith.constant 0 : i32
        %dma_start3A_133 = arith.constant 0 : i32
        %dma_start3A_134 = arith.constant 0 : i32
        %dma_start3A_135 = tpu.memref_slice %arg11[%dma_start3A_132, %dma_start3A_133, %dma_start3A_134] : memref<5x125x64xf32, #tpu.memory_space<vmem>> -> memref<1x125x64xf32, #tpu.memory_space<vmem>>
        %dma_start3A_136 = tpu.memref_squeeze %dma_start3A_135 : memref<1x125x64xf32, #tpu.memory_space<vmem>> -> memref<125x64xf32, #tpu.memory_space<vmem>>
        %dma_start3A_137 = arith.constant 0 : i32
        %dma_start3A_138 = tpu.memref_slice %arg10[%add3A_120, %dma_start3A_137] : memref<80x125xi32, #tpu.memory_space<vmem>> -> memref<1x125xi32, #tpu.memory_space<vmem>>
        %dma_start3A_139 = tpu.memref_squeeze %dma_start3A_138 : memref<1x125xi32, #tpu.memory_space<vmem>> -> memref<125xi32, #tpu.memory_space<vmem>>
        %dma_start3A_140 = arith.constant 0 : i32
        %dma_start3A_141 = arith.constant 0 : i32
        %dma_start3A_142 = tpu.memref_slice %arg7[%dma_start3A_140, %dma_start3A_141] : memref<10240x64xf32, #tpu.memory_space<vmem_shared>> -> memref<10240x64xf32, #tpu.memory_space<vmem_shared>>
        tpu.enqueue_indirect_dma source(%dma_start3A_136 : memref<125x64xf32, #tpu.memory_space<vmem>>) target(%dma_start3A_142 : memref<10240x64xf32, #tpu.memory_space<vmem_shared>>) offsets(%dma_start3A_139 : memref<125xi32, #tpu.memory_space<vmem>>) semaphore(%arg20 : memref<!tpu.dma_semaphore, #tpu.memory_space<semaphore_mem>>) {add = true}
        %dma_start3A_143 = arith.constant 0 : i32
        %dma_start3A_144 = tpu.memref_slice %arg10[%add3A_120, %dma_start3A_143] : memref<80x125xi32, #tpu.memory_space<vmem>> -> memref<1x125xi32, #tpu.memory_space<vmem>>
        %dma_start3A_145 = tpu.memref_squeeze %dma_start3A_144 : memref<1x125xi32, #tpu.memory_space<vmem>> -> memref<125xi32, #tpu.memory_space<vmem>>
        %dma_start3A_146 = arith.constant 0 : i32
        %dma_start3A_147 = arith.constant 0 : i32
        %dma_start3A_148 = tpu.memref_slice %arg8[%dma_start3A_146, %dma_start3A_147] : memref<10240x16xf32, #tpu.memory_space<vmem_shared>> -> memref<10240x16xf32, #tpu.memory_space<vmem_shared>>
        tpu.enqueue_indirect_dma source(%arg12 : memref<125x16xf32, #tpu.memory_space<vmem>>) target(%dma_start3A_148 : memref<10240x16xf32, #tpu.memory_space<vmem_shared>>) offsets(%dma_start3A_145 : memref<125xi32, #tpu.memory_space<vmem>>) semaphore(%arg25 : memref<!tpu.dma_semaphore, #tpu.memory_space<semaphore_mem>>) {add = true}
        %ge3A = arith.constant 1 : i32
        %ge3A_149 = arith.cmpi sge, %add3A_120, %ge3A : i32
        %convert_element_type3A_150 = arith.extui %ge3A_149 : i1 to i32
        %cond3A_151 = arith.constant 0 : i32
        %cond3A_152 = arith.cmpi ne, %convert_element_type3A_150, %cond3A_151 : i32
        scf.if %cond3A_152 {
          %sub3A = arith.constant 1 : i32
          %sub3A_327 = arith.subi %add3A_120, %sub3A : i32
          %dma_wait3A_328 = arith.constant 4 : i32
          %dma_wait3A_329 = arith.constant 0 : i32
          %dma_wait3A_330 = arith.constant 0 : i32
          %dma_wait3A_331 = tpu.memref_slice %arg11[%dma_wait3A_328, %dma_wait3A_329, %dma_wait3A_330] : memref<5x125x64xf32, #tpu.memory_space<vmem>> -> memref<1x125x64xf32, #tpu.memory_space<vmem>>
          %dma_wait3A_332 = tpu.memref_squeeze %dma_wait3A_331 : memref<1x125x64xf32, #tpu.memory_space<vmem>> -> memref<125x64xf32, #tpu.memory_space<vmem>>
          %dma_wait3A_333 = arith.constant 0 : i32
          %dma_wait3A_334 = tpu.memref_slice %arg10[%sub3A_327, %dma_wait3A_333] : memref<80x125xi32, #tpu.memory_space<vmem>> -> memref<1x125xi32, #tpu.memory_space<vmem>>
          %dma_wait3A_335 = tpu.memref_squeeze %dma_wait3A_334 : memref<1x125xi32, #tpu.memory_space<vmem>> -> memref<125xi32, #tpu.memory_space<vmem>>
          %dma_wait3A_336 = arith.constant 0 : i32
          %dma_wait3A_337 = arith.constant 0 : i32
          %dma_wait3A_338 = tpu.memref_slice %arg7[%dma_wait3A_336, %dma_wait3A_337] : memref<10240x64xf32, #tpu.memory_space<vmem_shared>> -> memref<10240x64xf32, #tpu.memory_space<vmem_shared>>
          tpu.wait_indirect_dma semaphore(%arg24 : memref<!tpu.dma_semaphore, #tpu.memory_space<semaphore_mem>>) src(%dma_wait3A_332 : memref<125x64xf32, #tpu.memory_space<vmem>>) dst(%dma_wait3A_338 : memref<10240x64xf32, #tpu.memory_space<vmem_shared>>)
          %sub3A_339 = arith.constant 1 : i32
          %sub3A_340 = arith.subi %add3A_120, %sub3A_339 : i32
          %dma_wait3A_341 = arith.constant 0 : i32
          %dma_wait3A_342 = tpu.memref_slice %arg10[%sub3A_340, %dma_wait3A_341] : memref<80x125xi32, #tpu.memory_space<vmem>> -> memref<1x125xi32, #tpu.memory_space<vmem>>
          %dma_wait3A_343 = tpu.memref_squeeze %dma_wait3A_342 : memref<1x125xi32, #tpu.memory_space<vmem>> -> memref<125xi32, #tpu.memory_space<vmem>>
          %dma_wait3A_344 = arith.constant 0 : i32
          %dma_wait3A_345 = arith.constant 0 : i32
          %dma_wait3A_346 = tpu.memref_slice %arg8[%dma_wait3A_344, %dma_wait3A_345] : memref<10240x16xf32, #tpu.memory_space<vmem_shared>> -> memref<10240x16xf32, #tpu.memory_space<vmem_shared>>
          tpu.wait_indirect_dma semaphore(%arg29 : memref<!tpu.dma_semaphore, #tpu.memory_space<semaphore_mem>>) src(%arg12 : memref<125x16xf32, #tpu.memory_space<vmem>>) dst(%dma_wait3A_346 : memref<10240x16xf32, #tpu.memory_space<vmem_shared>>)
        } else {
        }
        %add3A_153 = arith.constant 4 : i32
        %add3A_154 = arith.addi %add3A_120, %add3A_153 : i32
        %lt3A = arith.constant 80 : i32
        %lt3A_155 = arith.cmpi slt, %add3A_154, %lt3A : i32
        %convert_element_type3A_156 = arith.extui %lt3A_155 : i1 to i32
        %cond3A_157 = arith.constant 0 : i32
        %cond3A_158 = arith.cmpi ne, %convert_element_type3A_156, %cond3A_157 : i32
        scf.if %cond3A_158 {
          %add3A_327 = arith.constant 4 : i32
          %add3A_328 = arith.addi %add3A_120, %add3A_327 : i32
          %eq3A_329 = arith.constant 0 : i32
          %eq3A_330 = arith.cmpi eq, %arg0, %eq3A_329 : i32
          %convert_element_type3A_331 = arith.extui %eq3A_330 : i1 to i32
          %cond3A_332 = arith.constant 0 : i32
          %cond3A_333 = arith.cmpi ne, %convert_element_type3A_331, %cond3A_332 : i32
          scf.if %cond3A_333 {
            %dma_start3A_339 = arith.constant 4 : i32
            %dma_start3A_340 = arith.constant 0 : i32
            %dma_start3A_341 = arith.constant 0 : i32
            %dma_start3A_342 = tpu.memref_slice %arg11[%dma_start3A_339, %dma_start3A_340, %dma_start3A_341] : memref<5x125x64xf32, #tpu.memory_space<vmem>> -> memref<1x125x64xf32, #tpu.memory_space<vmem>>
            %dma_start3A_343 = tpu.memref_squeeze %dma_start3A_342 : memref<1x125x64xf32, #tpu.memory_space<vmem>> -> memref<125x64xf32, #tpu.memory_space<vmem>>
            %dma_start3A_344 = arith.constant 0 : i32
            %dma_start3A_345 = tpu.memref_slice %arg9[%add3A_328, %dma_start3A_344] : memref<80x125xi32, #tpu.memory_space<vmem>> -> memref<1x125xi32, #tpu.memory_space<vmem>>
            %dma_start3A_346 = tpu.memref_squeeze %dma_start3A_345 : memref<1x125xi32, #tpu.memory_space<vmem>> -> memref<125xi32, #tpu.memory_space<vmem>>
            %dma_start3A_347 = arith.constant 0 : i32
            %dma_start3A_348 = arith.constant 0 : i32
            %dma_start3A_349 = tpu.memref_slice %arg4[%dma_start3A_347, %dma_start3A_348] : memref<10000x64xf32, #tpu.memory_space<hbm>> -> memref<10000x64xf32, #tpu.memory_space<hbm>>
            tpu.enqueue_indirect_dma source(%dma_start3A_349 : memref<10000x64xf32, #tpu.memory_space<hbm>>) target(%dma_start3A_343 : memref<125x64xf32, #tpu.memory_space<vmem>>) offsets(%dma_start3A_346 : memref<125xi32, #tpu.memory_space<vmem>>) semaphore(%arg19 : memref<!tpu.dma_semaphore, #tpu.memory_space<semaphore_mem>>)
          } else {
          }
          %eq3A_334 = arith.constant 1 : i32
          %eq3A_335 = arith.cmpi eq, %arg0, %eq3A_334 : i32
          %convert_element_type3A_336 = arith.extui %eq3A_335 : i1 to i32
          %cond3A_337 = arith.constant 0 : i32
          %cond3A_338 = arith.cmpi ne, %convert_element_type3A_336, %cond3A_337 : i32
          scf.if %cond3A_338 {
            %dma_start3A_339 = arith.constant 4 : i32
            %dma_start3A_340 = arith.constant 0 : i32
            %dma_start3A_341 = arith.constant 0 : i32
            %dma_start3A_342 = tpu.memref_slice %arg11[%dma_start3A_339, %dma_start3A_340, %dma_start3A_341] : memref<5x125x64xf32, #tpu.memory_space<vmem>> -> memref<1x125x64xf32, #tpu.memory_space<vmem>>
            %dma_start3A_343 = tpu.memref_squeeze %dma_start3A_342 : memref<1x125x64xf32, #tpu.memory_space<vmem>> -> memref<125x64xf32, #tpu.memory_space<vmem>>
            %dma_start3A_344 = arith.constant 0 : i32
            %dma_start3A_345 = tpu.memref_slice %arg9[%add3A_328, %dma_start3A_344] : memref<80x125xi32, #tpu.memory_space<vmem>> -> memref<1x125xi32, #tpu.memory_space<vmem>>
            %dma_start3A_346 = tpu.memref_squeeze %dma_start3A_345 : memref<1x125xi32, #tpu.memory_space<vmem>> -> memref<125xi32, #tpu.memory_space<vmem>>
            %dma_start3A_347 = arith.constant 0 : i32
            %dma_start3A_348 = arith.constant 0 : i32
            %dma_start3A_349 = tpu.memref_slice %arg5[%dma_start3A_347, %dma_start3A_348] : memref<10000x64xf32, #tpu.memory_space<hbm>> -> memref<10000x64xf32, #tpu.memory_space<hbm>>
            tpu.enqueue_indirect_dma source(%dma_start3A_349 : memref<10000x64xf32, #tpu.memory_space<hbm>>) target(%dma_start3A_343 : memref<125x64xf32, #tpu.memory_space<vmem>>) offsets(%dma_start3A_346 : memref<125xi32, #tpu.memory_space<vmem>>) semaphore(%arg19 : memref<!tpu.dma_semaphore, #tpu.memory_space<semaphore_mem>>)
          } else {
          }
        } else {
        }
        %add3A_159 = arith.constant 1 : i32
        %add3A_160 = arith.addi %add3A_118, %add3A_159 : i32
        %dma_wait3A_161 = arith.constant 1 : i32
        %dma_wait3A_162 = arith.constant 0 : i32
        %dma_wait3A_163 = arith.constant 0 : i32
        %dma_wait3A_164 = tpu.memref_slice %arg11[%dma_wait3A_161, %dma_wait3A_162, %dma_wait3A_163] : memref<5x125x64xf32, #tpu.memory_space<vmem>> -> memref<1x125x64xf32, #tpu.memory_space<vmem>>
        %dma_wait3A_165 = tpu.memref_squeeze %dma_wait3A_164 : memref<1x125x64xf32, #tpu.memory_space<vmem>> -> memref<125x64xf32, #tpu.memory_space<vmem>>
        %dma_wait3A_166 = arith.constant 0 : i32
        %dma_wait3A_167 = tpu.memref_slice %arg9[%add3A_160, %dma_wait3A_166] : memref<80x125xi32, #tpu.memory_space<vmem>> -> memref<1x125xi32, #tpu.memory_space<vmem>>
        %dma_wait3A_168 = tpu.memref_squeeze %dma_wait3A_167 : memref<1x125xi32, #tpu.memory_space<vmem>> -> memref<125xi32, #tpu.memory_space<vmem>>
        %dma_wait3A_169 = arith.constant 0 : i32
        %dma_wait3A_170 = arith.constant 0 : i32
        %dma_wait3A_171 = tpu.memref_slice %arg4[%dma_wait3A_169, %dma_wait3A_170] : memref<10000x64xf32, #tpu.memory_space<hbm>> -> memref<10000x64xf32, #tpu.memory_space<hbm>>
        tpu.wait_indirect_dma semaphore(%arg16 : memref<!tpu.dma_semaphore, #tpu.memory_space<semaphore_mem>>) src(%dma_wait3A_171 : memref<10000x64xf32, #tpu.memory_space<hbm>>) dst(%dma_wait3A_165 : memref<125x64xf32, #tpu.memory_space<vmem>>)
        %dma_start3A_172 = arith.constant 1 : i32
        %dma_start3A_173 = arith.constant 0 : i32
        %dma_start3A_174 = arith.constant 0 : i32
        %dma_start3A_175 = tpu.memref_slice %arg11[%dma_start3A_172, %dma_start3A_173, %dma_start3A_174] : memref<5x125x64xf32, #tpu.memory_space<vmem>> -> memref<1x125x64xf32, #tpu.memory_space<vmem>>
        %dma_start3A_176 = tpu.memref_squeeze %dma_start3A_175 : memref<1x125x64xf32, #tpu.memory_space<vmem>> -> memref<125x64xf32, #tpu.memory_space<vmem>>
        %dma_start3A_177 = arith.constant 0 : i32
        %dma_start3A_178 = tpu.memref_slice %arg10[%add3A_160, %dma_start3A_177] : memref<80x125xi32, #tpu.memory_space<vmem>> -> memref<1x125xi32, #tpu.memory_space<vmem>>
        %dma_start3A_179 = tpu.memref_squeeze %dma_start3A_178 : memref<1x125xi32, #tpu.memory_space<vmem>> -> memref<125xi32, #tpu.memory_space<vmem>>
        %dma_start3A_180 = arith.constant 0 : i32
        %dma_start3A_181 = arith.constant 0 : i32
        %dma_start3A_182 = tpu.memref_slice %arg7[%dma_start3A_180, %dma_start3A_181] : memref<10240x64xf32, #tpu.memory_space<vmem_shared>> -> memref<10240x64xf32, #tpu.memory_space<vmem_shared>>
        tpu.enqueue_indirect_dma source(%dma_start3A_176 : memref<125x64xf32, #tpu.memory_space<vmem>>) target(%dma_start3A_182 : memref<10240x64xf32, #tpu.memory_space<vmem_shared>>) offsets(%dma_start3A_179 : memref<125xi32, #tpu.memory_space<vmem>>) semaphore(%arg21 : memref<!tpu.dma_semaphore, #tpu.memory_space<semaphore_mem>>) {add = true}
        %dma_start3A_183 = arith.constant 0 : i32
        %dma_start3A_184 = tpu.memref_slice %arg10[%add3A_160, %dma_start3A_183] : memref<80x125xi32, #tpu.memory_space<vmem>> -> memref<1x125xi32, #tpu.memory_space<vmem>>
        %dma_start3A_185 = tpu.memref_squeeze %dma_start3A_184 : memref<1x125xi32, #tpu.memory_space<vmem>> -> memref<125xi32, #tpu.memory_space<vmem>>
        %dma_start3A_186 = arith.constant 0 : i32
        %dma_start3A_187 = arith.constant 0 : i32
        %dma_start3A_188 = tpu.memref_slice %arg8[%dma_start3A_186, %dma_start3A_187] : memref<10240x16xf32, #tpu.memory_space<vmem_shared>> -> memref<10240x16xf32, #tpu.memory_space<vmem_shared>>
        tpu.enqueue_indirect_dma source(%arg12 : memref<125x16xf32, #tpu.memory_space<vmem>>) target(%dma_start3A_188 : memref<10240x16xf32, #tpu.memory_space<vmem_shared>>) offsets(%dma_start3A_185 : memref<125xi32, #tpu.memory_space<vmem>>) semaphore(%arg26 : memref<!tpu.dma_semaphore, #tpu.memory_space<semaphore_mem>>) {add = true}
        %ge3A_189 = arith.constant 1 : i32
        %ge3A_190 = arith.cmpi sge, %add3A_160, %ge3A_189 : i32
        %convert_element_type3A_191 = arith.extui %ge3A_190 : i1 to i32
        %cond3A_192 = arith.constant 0 : i32
        %cond3A_193 = arith.cmpi ne, %convert_element_type3A_191, %cond3A_192 : i32
        scf.if %cond3A_193 {
          %sub3A = arith.constant 1 : i32
          %sub3A_327 = arith.subi %add3A_160, %sub3A : i32
          %dma_wait3A_328 = arith.constant 0 : i32
          %dma_wait3A_329 = arith.constant 0 : i32
          %dma_wait3A_330 = arith.constant 0 : i32
          %dma_wait3A_331 = tpu.memref_slice %arg11[%dma_wait3A_328, %dma_wait3A_329, %dma_wait3A_330] : memref<5x125x64xf32, #tpu.memory_space<vmem>> -> memref<1x125x64xf32, #tpu.memory_space<vmem>>
          %dma_wait3A_332 = tpu.memref_squeeze %dma_wait3A_331 : memref<1x125x64xf32, #tpu.memory_space<vmem>> -> memref<125x64xf32, #tpu.memory_space<vmem>>
          %dma_wait3A_333 = arith.constant 0 : i32
          %dma_wait3A_334 = tpu.memref_slice %arg10[%sub3A_327, %dma_wait3A_333] : memref<80x125xi32, #tpu.memory_space<vmem>> -> memref<1x125xi32, #tpu.memory_space<vmem>>
          %dma_wait3A_335 = tpu.memref_squeeze %dma_wait3A_334 : memref<1x125xi32, #tpu.memory_space<vmem>> -> memref<125xi32, #tpu.memory_space<vmem>>
          %dma_wait3A_336 = arith.constant 0 : i32
          %dma_wait3A_337 = arith.constant 0 : i32
          %dma_wait3A_338 = tpu.memref_slice %arg7[%dma_wait3A_336, %dma_wait3A_337] : memref<10240x64xf32, #tpu.memory_space<vmem_shared>> -> memref<10240x64xf32, #tpu.memory_space<vmem_shared>>
          tpu.wait_indirect_dma semaphore(%arg20 : memref<!tpu.dma_semaphore, #tpu.memory_space<semaphore_mem>>) src(%dma_wait3A_332 : memref<125x64xf32, #tpu.memory_space<vmem>>) dst(%dma_wait3A_338 : memref<10240x64xf32, #tpu.memory_space<vmem_shared>>)
          %sub3A_339 = arith.constant 1 : i32
          %sub3A_340 = arith.subi %add3A_160, %sub3A_339 : i32
          %dma_wait3A_341 = arith.constant 0 : i32
          %dma_wait3A_342 = tpu.memref_slice %arg10[%sub3A_340, %dma_wait3A_341] : memref<80x125xi32, #tpu.memory_space<vmem>> -> memref<1x125xi32, #tpu.memory_space<vmem>>
          %dma_wait3A_343 = tpu.memref_squeeze %dma_wait3A_342 : memref<1x125xi32, #tpu.memory_space<vmem>> -> memref<125xi32, #tpu.memory_space<vmem>>
          %dma_wait3A_344 = arith.constant 0 : i32
          %dma_wait3A_345 = arith.constant 0 : i32
          %dma_wait3A_346 = tpu.memref_slice %arg8[%dma_wait3A_344, %dma_wait3A_345] : memref<10240x16xf32, #tpu.memory_space<vmem_shared>> -> memref<10240x16xf32, #tpu.memory_space<vmem_shared>>
          tpu.wait_indirect_dma semaphore(%arg25 : memref<!tpu.dma_semaphore, #tpu.memory_space<semaphore_mem>>) src(%arg12 : memref<125x16xf32, #tpu.memory_space<vmem>>) dst(%dma_wait3A_346 : memref<10240x16xf32, #tpu.memory_space<vmem_shared>>)
        } else {
        }
        %add3A_194 = arith.constant 4 : i32
        %add3A_195 = arith.addi %add3A_160, %add3A_194 : i32
        %lt3A_196 = arith.constant 80 : i32
        %lt3A_197 = arith.cmpi slt, %add3A_195, %lt3A_196 : i32
        %convert_element_type3A_198 = arith.extui %lt3A_197 : i1 to i32
        %cond3A_199 = arith.constant 0 : i32
        %cond3A_200 = arith.cmpi ne, %convert_element_type3A_198, %cond3A_199 : i32
        scf.if %cond3A_200 {
          %add3A_327 = arith.constant 4 : i32
          %add3A_328 = arith.addi %add3A_160, %add3A_327 : i32
          %eq3A_329 = arith.constant 0 : i32
          %eq3A_330 = arith.cmpi eq, %arg0, %eq3A_329 : i32
          %convert_element_type3A_331 = arith.extui %eq3A_330 : i1 to i32
          %cond3A_332 = arith.constant 0 : i32
          %cond3A_333 = arith.cmpi ne, %convert_element_type3A_331, %cond3A_332 : i32
          scf.if %cond3A_333 {
            %dma_start3A_339 = arith.constant 0 : i32
            %dma_start3A_340 = arith.constant 0 : i32
            %dma_start3A_341 = arith.constant 0 : i32
            %dma_start3A_342 = tpu.memref_slice %arg11[%dma_start3A_339, %dma_start3A_340, %dma_start3A_341] : memref<5x125x64xf32, #tpu.memory_space<vmem>> -> memref<1x125x64xf32, #tpu.memory_space<vmem>>
            %dma_start3A_343 = tpu.memref_squeeze %dma_start3A_342 : memref<1x125x64xf32, #tpu.memory_space<vmem>> -> memref<125x64xf32, #tpu.memory_space<vmem>>
            %dma_start3A_344 = arith.constant 0 : i32
            %dma_start3A_345 = tpu.memref_slice %arg9[%add3A_328, %dma_start3A_344] : memref<80x125xi32, #tpu.memory_space<vmem>> -> memref<1x125xi32, #tpu.memory_space<vmem>>
            %dma_start3A_346 = tpu.memref_squeeze %dma_start3A_345 : memref<1x125xi32, #tpu.memory_space<vmem>> -> memref<125xi32, #tpu.memory_space<vmem>>
            %dma_start3A_347 = arith.constant 0 : i32
            %dma_start3A_348 = arith.constant 0 : i32
            %dma_start3A_349 = tpu.memref_slice %arg4[%dma_start3A_347, %dma_start3A_348] : memref<10000x64xf32, #tpu.memory_space<hbm>> -> memref<10000x64xf32, #tpu.memory_space<hbm>>
            tpu.enqueue_indirect_dma source(%dma_start3A_349 : memref<10000x64xf32, #tpu.memory_space<hbm>>) target(%dma_start3A_343 : memref<125x64xf32, #tpu.memory_space<vmem>>) offsets(%dma_start3A_346 : memref<125xi32, #tpu.memory_space<vmem>>) semaphore(%arg15 : memref<!tpu.dma_semaphore, #tpu.memory_space<semaphore_mem>>)
          } else {
          }
          %eq3A_334 = arith.constant 1 : i32
          %eq3A_335 = arith.cmpi eq, %arg0, %eq3A_334 : i32
          %convert_element_type3A_336 = arith.extui %eq3A_335 : i1 to i32
          %cond3A_337 = arith.constant 0 : i32
          %cond3A_338 = arith.cmpi ne, %convert_element_type3A_336, %cond3A_337 : i32
          scf.if %cond3A_338 {
            %dma_start3A_339 = arith.constant 0 : i32
            %dma_start3A_340 = arith.constant 0 : i32
            %dma_start3A_341 = arith.constant 0 : i32
            %dma_start3A_342 = tpu.memref_slice %arg11[%dma_start3A_339, %dma_start3A_340, %dma_start3A_341] : memref<5x125x64xf32, #tpu.memory_space<vmem>> -> memref<1x125x64xf32, #tpu.memory_space<vmem>>
            %dma_start3A_343 = tpu.memref_squeeze %dma_start3A_342 : memref<1x125x64xf32, #tpu.memory_space<vmem>> -> memref<125x64xf32, #tpu.memory_space<vmem>>
            %dma_start3A_344 = arith.constant 0 : i32
            %dma_start3A_345 = tpu.memref_slice %arg9[%add3A_328, %dma_start3A_344] : memref<80x125xi32, #tpu.memory_space<vmem>> -> memref<1x125xi32, #tpu.memory_space<vmem>>
            %dma_start3A_346 = tpu.memref_squeeze %dma_start3A_345 : memref<1x125xi32, #tpu.memory_space<vmem>> -> memref<125xi32, #tpu.memory_space<vmem>>
            %dma_start3A_347 = arith.constant 0 : i32
            %dma_start3A_348 = arith.constant 0 : i32
            %dma_start3A_349 = tpu.memref_slice %arg5[%dma_start3A_347, %dma_start3A_348] : memref<10000x64xf32, #tpu.memory_space<hbm>> -> memref<10000x64xf32, #tpu.memory_space<hbm>>
            tpu.enqueue_indirect_dma source(%dma_start3A_349 : memref<10000x64xf32, #tpu.memory_space<hbm>>) target(%dma_start3A_343 : memref<125x64xf32, #tpu.memory_space<vmem>>) offsets(%dma_start3A_346 : memref<125xi32, #tpu.memory_space<vmem>>) semaphore(%arg15 : memref<!tpu.dma_semaphore, #tpu.memory_space<semaphore_mem>>)
          } else {
          }
        } else {
        }
        %add3A_201 = arith.constant 2 : i32
        %add3A_202 = arith.addi %add3A_118, %add3A_201 : i32
        %dma_wait3A_203 = arith.constant 2 : i32
        %dma_wait3A_204 = arith.constant 0 : i32
        %dma_wait3A_205 = arith.constant 0 : i32
        %dma_wait3A_206 = tpu.memref_slice %arg11[%dma_wait3A_203, %dma_wait3A_204, %dma_wait3A_205] : memref<5x125x64xf32, #tpu.memory_space<vmem>> -> memref<1x125x64xf32, #tpu.memory_space<vmem>>
        %dma_wait3A_207 = tpu.memref_squeeze %dma_wait3A_206 : memref<1x125x64xf32, #tpu.memory_space<vmem>> -> memref<125x64xf32, #tpu.memory_space<vmem>>
        %dma_wait3A_208 = arith.constant 0 : i32
        %dma_wait3A_209 = tpu.memref_slice %arg9[%add3A_202, %dma_wait3A_208] : memref<80x125xi32, #tpu.memory_space<vmem>> -> memref<1x125xi32, #tpu.memory_space<vmem>>
        %dma_wait3A_210 = tpu.memref_squeeze %dma_wait3A_209 : memref<1x125xi32, #tpu.memory_space<vmem>> -> memref<125xi32, #tpu.memory_space<vmem>>
        %dma_wait3A_211 = arith.constant 0 : i32
        %dma_wait3A_212 = arith.constant 0 : i32
        %dma_wait3A_213 = tpu.memref_slice %arg4[%dma_wait3A_211, %dma_wait3A_212] : memref<10000x64xf32, #tpu.memory_space<hbm>> -> memref<10000x64xf32, #tpu.memory_space<hbm>>
        tpu.wait_indirect_dma semaphore(%arg17 : memref<!tpu.dma_semaphore, #tpu.memory_space<semaphore_mem>>) src(%dma_wait3A_213 : memref<10000x64xf32, #tpu.memory_space<hbm>>) dst(%dma_wait3A_207 : memref<125x64xf32, #tpu.memory_space<vmem>>)
        %dma_start3A_214 = arith.constant 2 : i32
        %dma_start3A_215 = arith.constant 0 : i32
        %dma_start3A_216 = arith.constant 0 : i32
        %dma_start3A_217 = tpu.memref_slice %arg11[%dma_start3A_214, %dma_start3A_215, %dma_start3A_216] : memref<5x125x64xf32, #tpu.memory_space<vmem>> -> memref<1x125x64xf32, #tpu.memory_space<vmem>>
        %dma_start3A_218 = tpu.memref_squeeze %dma_start3A_217 : memref<1x125x64xf32, #tpu.memory_space<vmem>> -> memref<125x64xf32, #tpu.memory_space<vmem>>
        %dma_start3A_219 = arith.constant 0 : i32
        %dma_start3A_220 = tpu.memref_slice %arg10[%add3A_202, %dma_start3A_219] : memref<80x125xi32, #tpu.memory_space<vmem>> -> memref<1x125xi32, #tpu.memory_space<vmem>>
        %dma_start3A_221 = tpu.memref_squeeze %dma_start3A_220 : memref<1x125xi32, #tpu.memory_space<vmem>> -> memref<125xi32, #tpu.memory_space<vmem>>
        %dma_start3A_222 = arith.constant 0 : i32
        %dma_start3A_223 = arith.constant 0 : i32
        %dma_start3A_224 = tpu.memref_slice %arg7[%dma_start3A_222, %dma_start3A_223] : memref<10240x64xf32, #tpu.memory_space<vmem_shared>> -> memref<10240x64xf32, #tpu.memory_space<vmem_shared>>
        tpu.enqueue_indirect_dma source(%dma_start3A_218 : memref<125x64xf32, #tpu.memory_space<vmem>>) target(%dma_start3A_224 : memref<10240x64xf32, #tpu.memory_space<vmem_shared>>) offsets(%dma_start3A_221 : memref<125xi32, #tpu.memory_space<vmem>>) semaphore(%arg22 : memref<!tpu.dma_semaphore, #tpu.memory_space<semaphore_mem>>) {add = true}
        %dma_start3A_225 = arith.constant 0 : i32
        %dma_start3A_226 = tpu.memref_slice %arg10[%add3A_202, %dma_start3A_225] : memref<80x125xi32, #tpu.memory_space<vmem>> -> memref<1x125xi32, #tpu.memory_space<vmem>>
        %dma_start3A_227 = tpu.memref_squeeze %dma_start3A_226 : memref<1x125xi32, #tpu.memory_space<vmem>> -> memref<125xi32, #tpu.memory_space<vmem>>
        %dma_start3A_228 = arith.constant 0 : i32
        %dma_start3A_229 = arith.constant 0 : i32
        %dma_start3A_230 = tpu.memref_slice %arg8[%dma_start3A_228, %dma_start3A_229] : memref<10240x16xf32, #tpu.memory_space<vmem_shared>> -> memref<10240x16xf32, #tpu.memory_space<vmem_shared>>
        tpu.enqueue_indirect_dma source(%arg12 : memref<125x16xf32, #tpu.memory_space<vmem>>) target(%dma_start3A_230 : memref<10240x16xf32, #tpu.memory_space<vmem_shared>>) offsets(%dma_start3A_227 : memref<125xi32, #tpu.memory_space<vmem>>) semaphore(%arg27 : memref<!tpu.dma_semaphore, #tpu.memory_space<semaphore_mem>>) {add = true}
        %ge3A_231 = arith.constant 1 : i32
        %ge3A_232 = arith.cmpi sge, %add3A_202, %ge3A_231 : i32
        %convert_element_type3A_233 = arith.extui %ge3A_232 : i1 to i32
        %cond3A_234 = arith.constant 0 : i32
        %cond3A_235 = arith.cmpi ne, %convert_element_type3A_233, %cond3A_234 : i32
        scf.if %cond3A_235 {
          %sub3A = arith.constant 1 : i32
          %sub3A_327 = arith.subi %add3A_202, %sub3A : i32
          %dma_wait3A_328 = arith.constant 1 : i32
          %dma_wait3A_329 = arith.constant 0 : i32
          %dma_wait3A_330 = arith.constant 0 : i32
          %dma_wait3A_331 = tpu.memref_slice %arg11[%dma_wait3A_328, %dma_wait3A_329, %dma_wait3A_330] : memref<5x125x64xf32, #tpu.memory_space<vmem>> -> memref<1x125x64xf32, #tpu.memory_space<vmem>>
          %dma_wait3A_332 = tpu.memref_squeeze %dma_wait3A_331 : memref<1x125x64xf32, #tpu.memory_space<vmem>> -> memref<125x64xf32, #tpu.memory_space<vmem>>
          %dma_wait3A_333 = arith.constant 0 : i32
          %dma_wait3A_334 = tpu.memref_slice %arg10[%sub3A_327, %dma_wait3A_333] : memref<80x125xi32, #tpu.memory_space<vmem>> -> memref<1x125xi32, #tpu.memory_space<vmem>>
          %dma_wait3A_335 = tpu.memref_squeeze %dma_wait3A_334 : memref<1x125xi32, #tpu.memory_space<vmem>> -> memref<125xi32, #tpu.memory_space<vmem>>
          %dma_wait3A_336 = arith.constant 0 : i32
          %dma_wait3A_337 = arith.constant 0 : i32
          %dma_wait3A_338 = tpu.memref_slice %arg7[%dma_wait3A_336, %dma_wait3A_337] : memref<10240x64xf32, #tpu.memory_space<vmem_shared>> -> memref<10240x64xf32, #tpu.memory_space<vmem_shared>>
          tpu.wait_indirect_dma semaphore(%arg21 : memref<!tpu.dma_semaphore, #tpu.memory_space<semaphore_mem>>) src(%dma_wait3A_332 : memref<125x64xf32, #tpu.memory_space<vmem>>) dst(%dma_wait3A_338 : memref<10240x64xf32, #tpu.memory_space<vmem_shared>>)
          %sub3A_339 = arith.constant 1 : i32
          %sub3A_340 = arith.subi %add3A_202, %sub3A_339 : i32
          %dma_wait3A_341 = arith.constant 0 : i32
          %dma_wait3A_342 = tpu.memref_slice %arg10[%sub3A_340, %dma_wait3A_341] : memref<80x125xi32, #tpu.memory_space<vmem>> -> memref<1x125xi32, #tpu.memory_space<vmem>>
          %dma_wait3A_343 = tpu.memref_squeeze %dma_wait3A_342 : memref<1x125xi32, #tpu.memory_space<vmem>> -> memref<125xi32, #tpu.memory_space<vmem>>
          %dma_wait3A_344 = arith.constant 0 : i32
          %dma_wait3A_345 = arith.constant 0 : i32
          %dma_wait3A_346 = tpu.memref_slice %arg8[%dma_wait3A_344, %dma_wait3A_345] : memref<10240x16xf32, #tpu.memory_space<vmem_shared>> -> memref<10240x16xf32, #tpu.memory_space<vmem_shared>>
          tpu.wait_indirect_dma semaphore(%arg26 : memref<!tpu.dma_semaphore, #tpu.memory_space<semaphore_mem>>) src(%arg12 : memref<125x16xf32, #tpu.memory_space<vmem>>) dst(%dma_wait3A_346 : memref<10240x16xf32, #tpu.memory_space<vmem_shared>>)
        } else {
        }
        %add3A_236 = arith.constant 4 : i32
        %add3A_237 = arith.addi %add3A_202, %add3A_236 : i32
        %lt3A_238 = arith.constant 80 : i32
        %lt3A_239 = arith.cmpi slt, %add3A_237, %lt3A_238 : i32
        %convert_element_type3A_240 = arith.extui %lt3A_239 : i1 to i32
        %cond3A_241 = arith.constant 0 : i32
        %cond3A_242 = arith.cmpi ne, %convert_element_type3A_240, %cond3A_241 : i32
        scf.if %cond3A_242 {
          %add3A_327 = arith.constant 4 : i32
          %add3A_328 = arith.addi %add3A_202, %add3A_327 : i32
          %eq3A_329 = arith.constant 0 : i32
          %eq3A_330 = arith.cmpi eq, %arg0, %eq3A_329 : i32
          %convert_element_type3A_331 = arith.extui %eq3A_330 : i1 to i32
          %cond3A_332 = arith.constant 0 : i32
          %cond3A_333 = arith.cmpi ne, %convert_element_type3A_331, %cond3A_332 : i32
          scf.if %cond3A_333 {
            %dma_start3A_339 = arith.constant 1 : i32
            %dma_start3A_340 = arith.constant 0 : i32
            %dma_start3A_341 = arith.constant 0 : i32
            %dma_start3A_342 = tpu.memref_slice %arg11[%dma_start3A_339, %dma_start3A_340, %dma_start3A_341] : memref<5x125x64xf32, #tpu.memory_space<vmem>> -> memref<1x125x64xf32, #tpu.memory_space<vmem>>
            %dma_start3A_343 = tpu.memref_squeeze %dma_start3A_342 : memref<1x125x64xf32, #tpu.memory_space<vmem>> -> memref<125x64xf32, #tpu.memory_space<vmem>>
            %dma_start3A_344 = arith.constant 0 : i32
            %dma_start3A_345 = tpu.memref_slice %arg9[%add3A_328, %dma_start3A_344] : memref<80x125xi32, #tpu.memory_space<vmem>> -> memref<1x125xi32, #tpu.memory_space<vmem>>
            %dma_start3A_346 = tpu.memref_squeeze %dma_start3A_345 : memref<1x125xi32, #tpu.memory_space<vmem>> -> memref<125xi32, #tpu.memory_space<vmem>>
            %dma_start3A_347 = arith.constant 0 : i32
            %dma_start3A_348 = arith.constant 0 : i32
            %dma_start3A_349 = tpu.memref_slice %arg4[%dma_start3A_347, %dma_start3A_348] : memref<10000x64xf32, #tpu.memory_space<hbm>> -> memref<10000x64xf32, #tpu.memory_space<hbm>>
            tpu.enqueue_indirect_dma source(%dma_start3A_349 : memref<10000x64xf32, #tpu.memory_space<hbm>>) target(%dma_start3A_343 : memref<125x64xf32, #tpu.memory_space<vmem>>) offsets(%dma_start3A_346 : memref<125xi32, #tpu.memory_space<vmem>>) semaphore(%arg16 : memref<!tpu.dma_semaphore, #tpu.memory_space<semaphore_mem>>)
          } else {
          }
          %eq3A_334 = arith.constant 1 : i32
          %eq3A_335 = arith.cmpi eq, %arg0, %eq3A_334 : i32
          %convert_element_type3A_336 = arith.extui %eq3A_335 : i1 to i32
          %cond3A_337 = arith.constant 0 : i32
          %cond3A_338 = arith.cmpi ne, %convert_element_type3A_336, %cond3A_337 : i32
          scf.if %cond3A_338 {
            %dma_start3A_339 = arith.constant 1 : i32
            %dma_start3A_340 = arith.constant 0 : i32
            %dma_start3A_341 = arith.constant 0 : i32
            %dma_start3A_342 = tpu.memref_slice %arg11[%dma_start3A_339, %dma_start3A_340, %dma_start3A_341] : memref<5x125x64xf32, #tpu.memory_space<vmem>> -> memref<1x125x64xf32, #tpu.memory_space<vmem>>
            %dma_start3A_343 = tpu.memref_squeeze %dma_start3A_342 : memref<1x125x64xf32, #tpu.memory_space<vmem>> -> memref<125x64xf32, #tpu.memory_space<vmem>>
            %dma_start3A_344 = arith.constant 0 : i32
            %dma_start3A_345 = tpu.memref_slice %arg9[%add3A_328, %dma_start3A_344] : memref<80x125xi32, #tpu.memory_space<vmem>> -> memref<1x125xi32, #tpu.memory_space<vmem>>
            %dma_start3A_346 = tpu.memref_squeeze %dma_start3A_345 : memref<1x125xi32, #tpu.memory_space<vmem>> -> memref<125xi32, #tpu.memory_space<vmem>>
            %dma_start3A_347 = arith.constant 0 : i32
            %dma_start3A_348 = arith.constant 0 : i32
            %dma_start3A_349 = tpu.memref_slice %arg5[%dma_start3A_347, %dma_start3A_348] : memref<10000x64xf32, #tpu.memory_space<hbm>> -> memref<10000x64xf32, #tpu.memory_space<hbm>>
            tpu.enqueue_indirect_dma source(%dma_start3A_349 : memref<10000x64xf32, #tpu.memory_space<hbm>>) target(%dma_start3A_343 : memref<125x64xf32, #tpu.memory_space<vmem>>) offsets(%dma_start3A_346 : memref<125xi32, #tpu.memory_space<vmem>>) semaphore(%arg16 : memref<!tpu.dma_semaphore, #tpu.memory_space<semaphore_mem>>)
          } else {
          }
        } else {
        }
        %add3A_243 = arith.constant 3 : i32
        %add3A_244 = arith.addi %add3A_118, %add3A_243 : i32
        %dma_wait3A_245 = arith.constant 3 : i32
        %dma_wait3A_246 = arith.constant 0 : i32
        %dma_wait3A_247 = arith.constant 0 : i32
        %dma_wait3A_248 = tpu.memref_slice %arg11[%dma_wait3A_245, %dma_wait3A_246, %dma_wait3A_247] : memref<5x125x64xf32, #tpu.memory_space<vmem>> -> memref<1x125x64xf32, #tpu.memory_space<vmem>>
        %dma_wait3A_249 = tpu.memref_squeeze %dma_wait3A_248 : memref<1x125x64xf32, #tpu.memory_space<vmem>> -> memref<125x64xf32, #tpu.memory_space<vmem>>
        %dma_wait3A_250 = arith.constant 0 : i32
        %dma_wait3A_251 = tpu.memref_slice %arg9[%add3A_244, %dma_wait3A_250] : memref<80x125xi32, #tpu.memory_space<vmem>> -> memref<1x125xi32, #tpu.memory_space<vmem>>
        %dma_wait3A_252 = tpu.memref_squeeze %dma_wait3A_251 : memref<1x125xi32, #tpu.memory_space<vmem>> -> memref<125xi32, #tpu.memory_space<vmem>>
        %dma_wait3A_253 = arith.constant 0 : i32
        %dma_wait3A_254 = arith.constant 0 : i32
        %dma_wait3A_255 = tpu.memref_slice %arg4[%dma_wait3A_253, %dma_wait3A_254] : memref<10000x64xf32, #tpu.memory_space<hbm>> -> memref<10000x64xf32, #tpu.memory_space<hbm>>
        tpu.wait_indirect_dma semaphore(%arg18 : memref<!tpu.dma_semaphore, #tpu.memory_space<semaphore_mem>>) src(%dma_wait3A_255 : memref<10000x64xf32, #tpu.memory_space<hbm>>) dst(%dma_wait3A_249 : memref<125x64xf32, #tpu.memory_space<vmem>>)
        %dma_start3A_256 = arith.constant 3 : i32
        %dma_start3A_257 = arith.constant 0 : i32
        %dma_start3A_258 = arith.constant 0 : i32
        %dma_start3A_259 = tpu.memref_slice %arg11[%dma_start3A_256, %dma_start3A_257, %dma_start3A_258] : memref<5x125x64xf32, #tpu.memory_space<vmem>> -> memref<1x125x64xf32, #tpu.memory_space<vmem>>
        %dma_start3A_260 = tpu.memref_squeeze %dma_start3A_259 : memref<1x125x64xf32, #tpu.memory_space<vmem>> -> memref<125x64xf32, #tpu.memory_space<vmem>>
        %dma_start3A_261 = arith.constant 0 : i32
        %dma_start3A_262 = tpu.memref_slice %arg10[%add3A_244, %dma_start3A_261] : memref<80x125xi32, #tpu.memory_space<vmem>> -> memref<1x125xi32, #tpu.memory_space<vmem>>
        %dma_start3A_263 = tpu.memref_squeeze %dma_start3A_262 : memref<1x125xi32, #tpu.memory_space<vmem>> -> memref<125xi32, #tpu.memory_space<vmem>>
        %dma_start3A_264 = arith.constant 0 : i32
        %dma_start3A_265 = arith.constant 0 : i32
        %dma_start3A_266 = tpu.memref_slice %arg7[%dma_start3A_264, %dma_start3A_265] : memref<10240x64xf32, #tpu.memory_space<vmem_shared>> -> memref<10240x64xf32, #tpu.memory_space<vmem_shared>>
        tpu.enqueue_indirect_dma source(%dma_start3A_260 : memref<125x64xf32, #tpu.memory_space<vmem>>) target(%dma_start3A_266 : memref<10240x64xf32, #tpu.memory_space<vmem_shared>>) offsets(%dma_start3A_263 : memref<125xi32, #tpu.memory_space<vmem>>) semaphore(%arg23 : memref<!tpu.dma_semaphore, #tpu.memory_space<semaphore_mem>>) {add = true}
        %dma_start3A_267 = arith.constant 0 : i32
        %dma_start3A_268 = tpu.memref_slice %arg10[%add3A_244, %dma_start3A_267] : memref<80x125xi32, #tpu.memory_space<vmem>> -> memref<1x125xi32, #tpu.memory_space<vmem>>
        %dma_start3A_269 = tpu.memref_squeeze %dma_start3A_268 : memref<1x125xi32, #tpu.memory_space<vmem>> -> memref<125xi32, #tpu.memory_space<vmem>>
        %dma_start3A_270 = arith.constant 0 : i32
        %dma_start3A_271 = arith.constant 0 : i32
        %dma_start3A_272 = tpu.memref_slice %arg8[%dma_start3A_270, %dma_start3A_271] : memref<10240x16xf32, #tpu.memory_space<vmem_shared>> -> memref<10240x16xf32, #tpu.memory_space<vmem_shared>>
        tpu.enqueue_indirect_dma source(%arg12 : memref<125x16xf32, #tpu.memory_space<vmem>>) target(%dma_start3A_272 : memref<10240x16xf32, #tpu.memory_space<vmem_shared>>) offsets(%dma_start3A_269 : memref<125xi32, #tpu.memory_space<vmem>>) semaphore(%arg28 : memref<!tpu.dma_semaphore, #tpu.memory_space<semaphore_mem>>) {add = true}
        %ge3A_273 = arith.constant 1 : i32
        %ge3A_274 = arith.cmpi sge, %add3A_244, %ge3A_273 : i32
        %convert_element_type3A_275 = arith.extui %ge3A_274 : i1 to i32
        %cond3A_276 = arith.constant 0 : i32
        %cond3A_277 = arith.cmpi ne, %convert_element_type3A_275, %cond3A_276 : i32
        scf.if %cond3A_277 {
          %sub3A = arith.constant 1 : i32
          %sub3A_327 = arith.subi %add3A_244, %sub3A : i32
          %dma_wait3A_328 = arith.constant 2 : i32
          %dma_wait3A_329 = arith.constant 0 : i32
          %dma_wait3A_330 = arith.constant 0 : i32
          %dma_wait3A_331 = tpu.memref_slice %arg11[%dma_wait3A_328, %dma_wait3A_329, %dma_wait3A_330] : memref<5x125x64xf32, #tpu.memory_space<vmem>> -> memref<1x125x64xf32, #tpu.memory_space<vmem>>
          %dma_wait3A_332 = tpu.memref_squeeze %dma_wait3A_331 : memref<1x125x64xf32, #tpu.memory_space<vmem>> -> memref<125x64xf32, #tpu.memory_space<vmem>>
          %dma_wait3A_333 = arith.constant 0 : i32
          %dma_wait3A_334 = tpu.memref_slice %arg10[%sub3A_327, %dma_wait3A_333] : memref<80x125xi32, #tpu.memory_space<vmem>> -> memref<1x125xi32, #tpu.memory_space<vmem>>
          %dma_wait3A_335 = tpu.memref_squeeze %dma_wait3A_334 : memref<1x125xi32, #tpu.memory_space<vmem>> -> memref<125xi32, #tpu.memory_space<vmem>>
          %dma_wait3A_336 = arith.constant 0 : i32
          %dma_wait3A_337 = arith.constant 0 : i32
          %dma_wait3A_338 = tpu.memref_slice %arg7[%dma_wait3A_336, %dma_wait3A_337] : memref<10240x64xf32, #tpu.memory_space<vmem_shared>> -> memref<10240x64xf32, #tpu.memory_space<vmem_shared>>
          tpu.wait_indirect_dma semaphore(%arg22 : memref<!tpu.dma_semaphore, #tpu.memory_space<semaphore_mem>>) src(%dma_wait3A_332 : memref<125x64xf32, #tpu.memory_space<vmem>>) dst(%dma_wait3A_338 : memref<10240x64xf32, #tpu.memory_space<vmem_shared>>)
          %sub3A_339 = arith.constant 1 : i32
          %sub3A_340 = arith.subi %add3A_244, %sub3A_339 : i32
          %dma_wait3A_341 = arith.constant 0 : i32
          %dma_wait3A_342 = tpu.memref_slice %arg10[%sub3A_340, %dma_wait3A_341] : memref<80x125xi32, #tpu.memory_space<vmem>> -> memref<1x125xi32, #tpu.memory_space<vmem>>
          %dma_wait3A_343 = tpu.memref_squeeze %dma_wait3A_342 : memref<1x125xi32, #tpu.memory_space<vmem>> -> memref<125xi32, #tpu.memory_space<vmem>>
          %dma_wait3A_344 = arith.constant 0 : i32
          %dma_wait3A_345 = arith.constant 0 : i32
          %dma_wait3A_346 = tpu.memref_slice %arg8[%dma_wait3A_344, %dma_wait3A_345] : memref<10240x16xf32, #tpu.memory_space<vmem_shared>> -> memref<10240x16xf32, #tpu.memory_space<vmem_shared>>
          tpu.wait_indirect_dma semaphore(%arg27 : memref<!tpu.dma_semaphore, #tpu.memory_space<semaphore_mem>>) src(%arg12 : memref<125x16xf32, #tpu.memory_space<vmem>>) dst(%dma_wait3A_346 : memref<10240x16xf32, #tpu.memory_space<vmem_shared>>)
        } else {
        }
        %add3A_278 = arith.constant 4 : i32
        %add3A_279 = arith.addi %add3A_244, %add3A_278 : i32
        %lt3A_280 = arith.constant 80 : i32
        %lt3A_281 = arith.cmpi slt, %add3A_279, %lt3A_280 : i32
        %convert_element_type3A_282 = arith.extui %lt3A_281 : i1 to i32
        %cond3A_283 = arith.constant 0 : i32
        %cond3A_284 = arith.cmpi ne, %convert_element_type3A_282, %cond3A_283 : i32
        scf.if %cond3A_284 {
          %add3A_327 = arith.constant 4 : i32
          %add3A_328 = arith.addi %add3A_244, %add3A_327 : i32
          %eq3A_329 = arith.constant 0 : i32
          %eq3A_330 = arith.cmpi eq, %arg0, %eq3A_329 : i32
          %convert_element_type3A_331 = arith.extui %eq3A_330 : i1 to i32
          %cond3A_332 = arith.constant 0 : i32
          %cond3A_333 = arith.cmpi ne, %convert_element_type3A_331, %cond3A_332 : i32
          scf.if %cond3A_333 {
            %dma_start3A_339 = arith.constant 2 : i32
            %dma_start3A_340 = arith.constant 0 : i32
            %dma_start3A_341 = arith.constant 0 : i32
            %dma_start3A_342 = tpu.memref_slice %arg11[%dma_start3A_339, %dma_start3A_340, %dma_start3A_341] : memref<5x125x64xf32, #tpu.memory_space<vmem>> -> memref<1x125x64xf32, #tpu.memory_space<vmem>>
            %dma_start3A_343 = tpu.memref_squeeze %dma_start3A_342 : memref<1x125x64xf32, #tpu.memory_space<vmem>> -> memref<125x64xf32, #tpu.memory_space<vmem>>
            %dma_start3A_344 = arith.constant 0 : i32
            %dma_start3A_345 = tpu.memref_slice %arg9[%add3A_328, %dma_start3A_344] : memref<80x125xi32, #tpu.memory_space<vmem>> -> memref<1x125xi32, #tpu.memory_space<vmem>>
            %dma_start3A_346 = tpu.memref_squeeze %dma_start3A_345 : memref<1x125xi32, #tpu.memory_space<vmem>> -> memref<125xi32, #tpu.memory_space<vmem>>
            %dma_start3A_347 = arith.constant 0 : i32
            %dma_start3A_348 = arith.constant 0 : i32
            %dma_start3A_349 = tpu.memref_slice %arg4[%dma_start3A_347, %dma_start3A_348] : memref<10000x64xf32, #tpu.memory_space<hbm>> -> memref<10000x64xf32, #tpu.memory_space<hbm>>
            tpu.enqueue_indirect_dma source(%dma_start3A_349 : memref<10000x64xf32, #tpu.memory_space<hbm>>) target(%dma_start3A_343 : memref<125x64xf32, #tpu.memory_space<vmem>>) offsets(%dma_start3A_346 : memref<125xi32, #tpu.memory_space<vmem>>) semaphore(%arg17 : memref<!tpu.dma_semaphore, #tpu.memory_space<semaphore_mem>>)
          } else {
          }
          %eq3A_334 = arith.constant 1 : i32
          %eq3A_335 = arith.cmpi eq, %arg0, %eq3A_334 : i32
          %convert_element_type3A_336 = arith.extui %eq3A_335 : i1 to i32
          %cond3A_337 = arith.constant 0 : i32
          %cond3A_338 = arith.cmpi ne, %convert_element_type3A_336, %cond3A_337 : i32
          scf.if %cond3A_338 {
            %dma_start3A_339 = arith.constant 2 : i32
            %dma_start3A_340 = arith.constant 0 : i32
            %dma_start3A_341 = arith.constant 0 : i32
            %dma_start3A_342 = tpu.memref_slice %arg11[%dma_start3A_339, %dma_start3A_340, %dma_start3A_341] : memref<5x125x64xf32, #tpu.memory_space<vmem>> -> memref<1x125x64xf32, #tpu.memory_space<vmem>>
            %dma_start3A_343 = tpu.memref_squeeze %dma_start3A_342 : memref<1x125x64xf32, #tpu.memory_space<vmem>> -> memref<125x64xf32, #tpu.memory_space<vmem>>
            %dma_start3A_344 = arith.constant 0 : i32
            %dma_start3A_345 = tpu.memref_slice %arg9[%add3A_328, %dma_start3A_344] : memref<80x125xi32, #tpu.memory_space<vmem>> -> memref<1x125xi32, #tpu.memory_space<vmem>>
            %dma_start3A_346 = tpu.memref_squeeze %dma_start3A_345 : memref<1x125xi32, #tpu.memory_space<vmem>> -> memref<125xi32, #tpu.memory_space<vmem>>
            %dma_start3A_347 = arith.constant 0 : i32
            %dma_start3A_348 = arith.constant 0 : i32
            %dma_start3A_349 = tpu.memref_slice %arg5[%dma_start3A_347, %dma_start3A_348] : memref<10000x64xf32, #tpu.memory_space<hbm>> -> memref<10000x64xf32, #tpu.memory_space<hbm>>
            tpu.enqueue_indirect_dma source(%dma_start3A_349 : memref<10000x64xf32, #tpu.memory_space<hbm>>) target(%dma_start3A_343 : memref<125x64xf32, #tpu.memory_space<vmem>>) offsets(%dma_start3A_346 : memref<125xi32, #tpu.memory_space<vmem>>) semaphore(%arg17 : memref<!tpu.dma_semaphore, #tpu.memory_space<semaphore_mem>>)
          } else {
          }
        } else {
        }
        %add3A_285 = arith.constant 4 : i32
        %add3A_286 = arith.addi %add3A_118, %add3A_285 : i32
        %dma_wait3A_287 = arith.constant 4 : i32
        %dma_wait3A_288 = arith.constant 0 : i32
        %dma_wait3A_289 = arith.constant 0 : i32
        %dma_wait3A_290 = tpu.memref_slice %arg11[%dma_wait3A_287, %dma_wait3A_288, %dma_wait3A_289] : memref<5x125x64xf32, #tpu.memory_space<vmem>> -> memref<1x125x64xf32, #tpu.memory_space<vmem>>
        %dma_wait3A_291 = tpu.memref_squeeze %dma_wait3A_290 : memref<1x125x64xf32, #tpu.memory_space<vmem>> -> memref<125x64xf32, #tpu.memory_space<vmem>>
        %dma_wait3A_292 = arith.constant 0 : i32
        %dma_wait3A_293 = tpu.memref_slice %arg9[%add3A_286, %dma_wait3A_292] : memref<80x125xi32, #tpu.memory_space<vmem>> -> memref<1x125xi32, #tpu.memory_space<vmem>>
        %dma_wait3A_294 = tpu.memref_squeeze %dma_wait3A_293 : memref<1x125xi32, #tpu.memory_space<vmem>> -> memref<125xi32, #tpu.memory_space<vmem>>
        %dma_wait3A_295 = arith.constant 0 : i32
        %dma_wait3A_296 = arith.constant 0 : i32
        %dma_wait3A_297 = tpu.memref_slice %arg4[%dma_wait3A_295, %dma_wait3A_296] : memref<10000x64xf32, #tpu.memory_space<hbm>> -> memref<10000x64xf32, #tpu.memory_space<hbm>>
        tpu.wait_indirect_dma semaphore(%arg19 : memref<!tpu.dma_semaphore, #tpu.memory_space<semaphore_mem>>) src(%dma_wait3A_297 : memref<10000x64xf32, #tpu.memory_space<hbm>>) dst(%dma_wait3A_291 : memref<125x64xf32, #tpu.memory_space<vmem>>)
        %dma_start3A_298 = arith.constant 4 : i32
        %dma_start3A_299 = arith.constant 0 : i32
        %dma_start3A_300 = arith.constant 0 : i32
        %dma_start3A_301 = tpu.memref_slice %arg11[%dma_start3A_298, %dma_start3A_299, %dma_start3A_300] : memref<5x125x64xf32, #tpu.memory_space<vmem>> -> memref<1x125x64xf32, #tpu.memory_space<vmem>>
        %dma_start3A_302 = tpu.memref_squeeze %dma_start3A_301 : memref<1x125x64xf32, #tpu.memory_space<vmem>> -> memref<125x64xf32, #tpu.memory_space<vmem>>
        %dma_start3A_303 = arith.constant 0 : i32
        %dma_start3A_304 = tpu.memref_slice %arg10[%add3A_286, %dma_start3A_303] : memref<80x125xi32, #tpu.memory_space<vmem>> -> memref<1x125xi32, #tpu.memory_space<vmem>>
        %dma_start3A_305 = tpu.memref_squeeze %dma_start3A_304 : memref<1x125xi32, #tpu.memory_space<vmem>> -> memref<125xi32, #tpu.memory_space<vmem>>
        %dma_start3A_306 = arith.constant 0 : i32
        %dma_start3A_307 = arith.constant 0 : i32
        %dma_start3A_308 = tpu.memref_slice %arg7[%dma_start3A_306, %dma_start3A_307] : memref<10240x64xf32, #tpu.memory_space<vmem_shared>> -> memref<10240x64xf32, #tpu.memory_space<vmem_shared>>
        tpu.enqueue_indirect_dma source(%dma_start3A_302 : memref<125x64xf32, #tpu.memory_space<vmem>>) target(%dma_start3A_308 : memref<10240x64xf32, #tpu.memory_space<vmem_shared>>) offsets(%dma_start3A_305 : memref<125xi32, #tpu.memory_space<vmem>>) semaphore(%arg24 : memref<!tpu.dma_semaphore, #tpu.memory_space<semaphore_mem>>) {add = true}
        %dma_start3A_309 = arith.constant 0 : i32
        %dma_start3A_310 = tpu.memref_slice %arg10[%add3A_286, %dma_start3A_309] : memref<80x125xi32, #tpu.memory_space<vmem>> -> memref<1x125xi32, #tpu.memory_space<vmem>>
        %dma_start3A_311 = tpu.memref_squeeze %dma_start3A_310 : memref<1x125xi32, #tpu.memory_space<vmem>> -> memref<125xi32, #tpu.memory_space<vmem>>
        %dma_start3A_312 = arith.constant 0 : i32
        %dma_start3A_313 = arith.constant 0 : i32
        %dma_start3A_314 = tpu.memref_slice %arg8[%dma_start3A_312, %dma_start3A_313] : memref<10240x16xf32, #tpu.memory_space<vmem_shared>> -> memref<10240x16xf32, #tpu.memory_space<vmem_shared>>
        tpu.enqueue_indirect_dma source(%arg12 : memref<125x16xf32, #tpu.memory_space<vmem>>) target(%dma_start3A_314 : memref<10240x16xf32, #tpu.memory_space<vmem_shared>>) offsets(%dma_start3A_311 : memref<125xi32, #tpu.memory_space<vmem>>) semaphore(%arg29 : memref<!tpu.dma_semaphore, #tpu.memory_space<semaphore_mem>>) {add = true}
        %ge3A_315 = arith.constant 1 : i32
        %ge3A_316 = arith.cmpi sge, %add3A_286, %ge3A_315 : i32
        %convert_element_type3A_317 = arith.extui %ge3A_316 : i1 to i32
        %cond3A_318 = arith.constant 0 : i32
        %cond3A_319 = arith.cmpi ne, %convert_element_type3A_317, %cond3A_318 : i32
        scf.if %cond3A_319 {
          %sub3A = arith.constant 1 : i32
          %sub3A_327 = arith.subi %add3A_286, %sub3A : i32
          %dma_wait3A_328 = arith.constant 3 : i32
          %dma_wait3A_329 = arith.constant 0 : i32
          %dma_wait3A_330 = arith.constant 0 : i32
          %dma_wait3A_331 = tpu.memref_slice %arg11[%dma_wait3A_328, %dma_wait3A_329, %dma_wait3A_330] : memref<5x125x64xf32, #tpu.memory_space<vmem>> -> memref<1x125x64xf32, #tpu.memory_space<vmem>>
          %dma_wait3A_332 = tpu.memref_squeeze %dma_wait3A_331 : memref<1x125x64xf32, #tpu.memory_space<vmem>> -> memref<125x64xf32, #tpu.memory_space<vmem>>
          %dma_wait3A_333 = arith.constant 0 : i32
          %dma_wait3A_334 = tpu.memref_slice %arg10[%sub3A_327, %dma_wait3A_333] : memref<80x125xi32, #tpu.memory_space<vmem>> -> memref<1x125xi32, #tpu.memory_space<vmem>>
          %dma_wait3A_335 = tpu.memref_squeeze %dma_wait3A_334 : memref<1x125xi32, #tpu.memory_space<vmem>> -> memref<125xi32, #tpu.memory_space<vmem>>
          %dma_wait3A_336 = arith.constant 0 : i32
          %dma_wait3A_337 = arith.constant 0 : i32
          %dma_wait3A_338 = tpu.memref_slice %arg7[%dma_wait3A_336, %dma_wait3A_337] : memref<10240x64xf32, #tpu.memory_space<vmem_shared>> -> memref<10240x64xf32, #tpu.memory_space<vmem_shared>>
          tpu.wait_indirect_dma semaphore(%arg23 : memref<!tpu.dma_semaphore, #tpu.memory_space<semaphore_mem>>) src(%dma_wait3A_332 : memref<125x64xf32, #tpu.memory_space<vmem>>) dst(%dma_wait3A_338 : memref<10240x64xf32, #tpu.memory_space<vmem_shared>>)
          %sub3A_339 = arith.constant 1 : i32
          %sub3A_340 = arith.subi %add3A_286, %sub3A_339 : i32
          %dma_wait3A_341 = arith.constant 0 : i32
          %dma_wait3A_342 = tpu.memref_slice %arg10[%sub3A_340, %dma_wait3A_341] : memref<80x125xi32, #tpu.memory_space<vmem>> -> memref<1x125xi32, #tpu.memory_space<vmem>>
          %dma_wait3A_343 = tpu.memref_squeeze %dma_wait3A_342 : memref<1x125xi32, #tpu.memory_space<vmem>> -> memref<125xi32, #tpu.memory_space<vmem>>
          %dma_wait3A_344 = arith.constant 0 : i32
          %dma_wait3A_345 = arith.constant 0 : i32
          %dma_wait3A_346 = tpu.memref_slice %arg8[%dma_wait3A_344, %dma_wait3A_345] : memref<10240x16xf32, #tpu.memory_space<vmem_shared>> -> memref<10240x16xf32, #tpu.memory_space<vmem_shared>>
          tpu.wait_indirect_dma semaphore(%arg28 : memref<!tpu.dma_semaphore, #tpu.memory_space<semaphore_mem>>) src(%arg12 : memref<125x16xf32, #tpu.memory_space<vmem>>) dst(%dma_wait3A_346 : memref<10240x16xf32, #tpu.memory_space<vmem_shared>>)
        } else {
        }
        %add3A_320 = arith.constant 4 : i32
        %add3A_321 = arith.addi %add3A_286, %add3A_320 : i32
        %lt3A_322 = arith.constant 80 : i32
        %lt3A_323 = arith.cmpi slt, %add3A_321, %lt3A_322 : i32
        %convert_element_type3A_324 = arith.extui %lt3A_323 : i1 to i32
        %cond3A_325 = arith.constant 0 : i32
        %cond3A_326 = arith.cmpi ne, %convert_element_type3A_324, %cond3A_325 : i32
        scf.if %cond3A_326 {
          %add3A_327 = arith.constant 4 : i32
          %add3A_328 = arith.addi %add3A_286, %add3A_327 : i32
          %eq3A_329 = arith.constant 0 : i32
          %eq3A_330 = arith.cmpi eq, %arg0, %eq3A_329 : i32
          %convert_element_type3A_331 = arith.extui %eq3A_330 : i1 to i32
          %cond3A_332 = arith.constant 0 : i32
          %cond3A_333 = arith.cmpi ne, %convert_element_type3A_331, %cond3A_332 : i32
          scf.if %cond3A_333 {
            %dma_start3A_339 = arith.constant 3 : i32
            %dma_start3A_340 = arith.constant 0 : i32
            %dma_start3A_341 = arith.constant 0 : i32
            %dma_start3A_342 = tpu.memref_slice %arg11[%dma_start3A_339, %dma_start3A_340, %dma_start3A_341] : memref<5x125x64xf32, #tpu.memory_space<vmem>> -> memref<1x125x64xf32, #tpu.memory_space<vmem>>
            %dma_start3A_343 = tpu.memref_squeeze %dma_start3A_342 : memref<1x125x64xf32, #tpu.memory_space<vmem>> -> memref<125x64xf32, #tpu.memory_space<vmem>>
            %dma_start3A_344 = arith.constant 0 : i32
            %dma_start3A_345 = tpu.memref_slice %arg9[%add3A_328, %dma_start3A_344] : memref<80x125xi32, #tpu.memory_space<vmem>> -> memref<1x125xi32, #tpu.memory_space<vmem>>
            %dma_start3A_346 = tpu.memref_squeeze %dma_start3A_345 : memref<1x125xi32, #tpu.memory_space<vmem>> -> memref<125xi32, #tpu.memory_space<vmem>>
            %dma_start3A_347 = arith.constant 0 : i32
            %dma_start3A_348 = arith.constant 0 : i32
            %dma_start3A_349 = tpu.memref_slice %arg4[%dma_start3A_347, %dma_start3A_348] : memref<10000x64xf32, #tpu.memory_space<hbm>> -> memref<10000x64xf32, #tpu.memory_space<hbm>>
            tpu.enqueue_indirect_dma source(%dma_start3A_349 : memref<10000x64xf32, #tpu.memory_space<hbm>>) target(%dma_start3A_343 : memref<125x64xf32, #tpu.memory_space<vmem>>) offsets(%dma_start3A_346 : memref<125xi32, #tpu.memory_space<vmem>>) semaphore(%arg18 : memref<!tpu.dma_semaphore, #tpu.memory_space<semaphore_mem>>)
          } else {
          }
          %eq3A_334 = arith.constant 1 : i32
          %eq3A_335 = arith.cmpi eq, %arg0, %eq3A_334 : i32
          %convert_element_type3A_336 = arith.extui %eq3A_335 : i1 to i32
          %cond3A_337 = arith.constant 0 : i32
          %cond3A_338 = arith.cmpi ne, %convert_element_type3A_336, %cond3A_337 : i32
          scf.if %cond3A_338 {
            %dma_start3A_339 = arith.constant 3 : i32
            %dma_start3A_340 = arith.constant 0 : i32
            %dma_start3A_341 = arith.constant 0 : i32
            %dma_start3A_342 = tpu.memref_slice %arg11[%dma_start3A_339, %dma_start3A_340, %dma_start3A_341] : memref<5x125x64xf32, #tpu.memory_space<vmem>> -> memref<1x125x64xf32, #tpu.memory_space<vmem>>
            %dma_start3A_343 = tpu.memref_squeeze %dma_start3A_342 : memref<1x125x64xf32, #tpu.memory_space<vmem>> -> memref<125x64xf32, #tpu.memory_space<vmem>>
            %dma_start3A_344 = arith.constant 0 : i32
            %dma_start3A_345 = tpu.memref_slice %arg9[%add3A_328, %dma_start3A_344] : memref<80x125xi32, #tpu.memory_space<vmem>> -> memref<1x125xi32, #tpu.memory_space<vmem>>
            %dma_start3A_346 = tpu.memref_squeeze %dma_start3A_345 : memref<1x125xi32, #tpu.memory_space<vmem>> -> memref<125xi32, #tpu.memory_space<vmem>>
            %dma_start3A_347 = arith.constant 0 : i32
            %dma_start3A_348 = arith.constant 0 : i32
            %dma_start3A_349 = tpu.memref_slice %arg5[%dma_start3A_347, %dma_start3A_348] : memref<10000x64xf32, #tpu.memory_space<hbm>> -> memref<10000x64xf32, #tpu.memory_space<hbm>>
            tpu.enqueue_indirect_dma source(%dma_start3A_349 : memref<10000x64xf32, #tpu.memory_space<hbm>>) target(%dma_start3A_343 : memref<125x64xf32, #tpu.memory_space<vmem>>) offsets(%dma_start3A_346 : memref<125xi32, #tpu.memory_space<vmem>>) semaphore(%arg18 : memref<!tpu.dma_semaphore, #tpu.memory_space<semaphore_mem>>)
          } else {
          }
        } else {
        }
      }
      %scan3A_94 = arith.constant 16 : i32
      %dma_wait3A_95 = arith.constant 4 : i32
      %dma_wait3A_96 = arith.constant 79 : i32
      %dma_wait3A_97 = arith.constant 0 : i32
      %dma_wait3A_98 = arith.constant 0 : i32
      %dma_wait3A_99 = tpu.memref_slice %arg11[%dma_wait3A_95, %dma_wait3A_97, %dma_wait3A_98] : memref<5x125x64xf32, #tpu.memory_space<vmem>> -> memref<1x125x64xf32, #tpu.memory_space<vmem>>
      %dma_wait3A_100 = tpu.memref_squeeze %dma_wait3A_99 : memref<1x125x64xf32, #tpu.memory_space<vmem>> -> memref<125x64xf32, #tpu.memory_space<vmem>>
      %dma_wait3A_101 = arith.constant 0 : i32
      %dma_wait3A_102 = tpu.memref_slice %arg10[%dma_wait3A_96, %dma_wait3A_101] : memref<80x125xi32, #tpu.memory_space<vmem>> -> memref<1x125xi32, #tpu.memory_space<vmem>>
      %dma_wait3A_103 = tpu.memref_squeeze %dma_wait3A_102 : memref<1x125xi32, #tpu.memory_space<vmem>> -> memref<125xi32, #tpu.memory_space<vmem>>
      %dma_wait3A_104 = arith.constant 0 : i32
      %dma_wait3A_105 = arith.constant 0 : i32
      %dma_wait3A_106 = tpu.memref_slice %arg7[%dma_wait3A_104, %dma_wait3A_105] : memref<10240x64xf32, #tpu.memory_space<vmem_shared>> -> memref<10240x64xf32, #tpu.memory_space<vmem_shared>>
      tpu.wait_indirect_dma semaphore(%arg24 : memref<!tpu.dma_semaphore, #tpu.memory_space<semaphore_mem>>) src(%dma_wait3A_100 : memref<125x64xf32, #tpu.memory_space<vmem>>) dst(%dma_wait3A_106 : memref<10240x64xf32, #tpu.memory_space<vmem_shared>>)
      %dma_wait3A_107 = arith.constant 79 : i32
      %dma_wait3A_108 = arith.constant 0 : i32
      %dma_wait3A_109 = tpu.memref_slice %arg10[%dma_wait3A_107, %dma_wait3A_108] : memref<80x125xi32, #tpu.memory_space<vmem>> -> memref<1x125xi32, #tpu.memory_space<vmem>>
      %dma_wait3A_110 = tpu.memref_squeeze %dma_wait3A_109 : memref<1x125xi32, #tpu.memory_space<vmem>> -> memref<125xi32, #tpu.memory_space<vmem>>
      %dma_wait3A_111 = arith.constant 0 : i32
      %dma_wait3A_112 = arith.constant 0 : i32
      %dma_wait3A_113 = tpu.memref_slice %arg8[%dma_wait3A_111, %dma_wait3A_112] : memref<10240x16xf32, #tpu.memory_space<vmem_shared>> -> memref<10240x16xf32, #tpu.memory_space<vmem_shared>>
      tpu.wait_indirect_dma semaphore(%arg29 : memref<!tpu.dma_semaphore, #tpu.memory_space<semaphore_mem>>) src(%arg12 : memref<125x16xf32, #tpu.memory_space<vmem>>) dst(%dma_wait3A_113 : memref<10240x16xf32, #tpu.memory_space<vmem_shared>>)
    }
    %scan3A_28 = arith.constant 2 : i32
    %barrier3A_29 = arith.constant 0 : index
    tpu.barrier barrier_id(%barrier3A_29)
    %scan3A_30 = arith.constant 0 : i32
    %scan3A_31 = arith.constant 8 : i32
    %scan3A_32 = arith.addi %scan3A_30, %scan3A_31 : i32
    %scan3A_33 = arith.constant 1 : i32
    scf.for %scan3A_35 = %scan3A_30 to %scan3A_32 step %scan3A_33  : i32 {
      %mul3A_36 = arith.constant 80 : i32
      %mul3A_37 = arith.muli %scan3A_35, %mul3A_36 : i32
      %add3A = arith.constant 0 : i32
      %add3A_38 = arith.addi %add3A, %mul3A_37 : i32
      %add3A_39 = arith.addi %mul3A_0, %add3A_38 : i32
      "tpu.region"() ({
        %run_scoped3A = tpu.sem_alloc : memref<!tpu.dma_semaphore, #tpu.memory_space<semaphore_mem>>
        %dma_start3A_49 = arith.constant 0 : i32
        %dma_start3A_50 = tpu.memref_slice %arg7[%add3A_39, %dma_start3A_49] : memref<10240x64xf32, #tpu.memory_space<vmem_shared>> -> memref<80x64xf32, #tpu.memory_space<vmem_shared>>
        %dma_start3A_51 = arith.constant 0 : i32
        %dma_start3A_52 = tpu.memref_slice %arg7[%add3A_39, %dma_start3A_51] : memref<10240x64xf32, #tpu.memory_space<vmem_shared>> -> memref<80x64xf32, #tpu.memory_space<vmem_shared>>
        tpu.enqueue_dma source(%dma_start3A_52 : memref<80x64xf32, #tpu.memory_space<vmem_shared>>) target(%arg13 : memref<80x64xf32, #tpu.memory_space<vmem>>) target_semaphore(%run_scoped3A : memref<!tpu.dma_semaphore, #tpu.memory_space<semaphore_mem>>)
        %dma_wait3A = arith.constant 0 : i32
        %dma_wait3A_53 = tpu.memref_slice %arg7[%add3A_39, %dma_wait3A] : memref<10240x64xf32, #tpu.memory_space<vmem_shared>> -> memref<80x64xf32, #tpu.memory_space<vmem_shared>>
        %dma_wait3A_54 = arith.constant 0 : i32
        %dma_wait3A_55 = tpu.memref_slice %arg7[%add3A_39, %dma_wait3A_54] : memref<10240x64xf32, #tpu.memory_space<vmem_shared>> -> memref<80x64xf32, #tpu.memory_space<vmem_shared>>
        tpu.wait_dma2 semaphore(%run_scoped3A : memref<!tpu.dma_semaphore, #tpu.memory_space<semaphore_mem>>) src(%dma_wait3A_55 : memref<80x64xf32, #tpu.memory_space<vmem_shared>>) dst(%arg13 : memref<80x64xf32, #tpu.memory_space<vmem>>)
        tpu.yield
      }) : () -> ()
      %add3A_40 = arith.addi %mul3A_0, %add3A_38 : i32
      "tpu.region"() ({
        %run_scoped3A = tpu.sem_alloc : memref<!tpu.dma_semaphore, #tpu.memory_space<semaphore_mem>>
        %dma_start3A_49 = arith.constant 0 : i32
        %dma_start3A_50 = tpu.memref_slice %arg8[%add3A_40, %dma_start3A_49] : memref<10240x16xf32, #tpu.memory_space<vmem_shared>> -> memref<80x16xf32, #tpu.memory_space<vmem_shared>>
        %dma_start3A_51 = arith.constant 0 : i32
        %dma_start3A_52 = tpu.memref_slice %arg8[%add3A_40, %dma_start3A_51] : memref<10240x16xf32, #tpu.memory_space<vmem_shared>> -> memref<80x16xf32, #tpu.memory_space<vmem_shared>>
        tpu.enqueue_dma source(%dma_start3A_52 : memref<80x16xf32, #tpu.memory_space<vmem_shared>>) target(%arg14 : memref<80x16xf32, #tpu.memory_space<vmem>>) target_semaphore(%run_scoped3A : memref<!tpu.dma_semaphore, #tpu.memory_space<semaphore_mem>>)
        %dma_wait3A = arith.constant 0 : i32
        %dma_wait3A_53 = tpu.memref_slice %arg8[%add3A_40, %dma_wait3A] : memref<10240x16xf32, #tpu.memory_space<vmem_shared>> -> memref<80x16xf32, #tpu.memory_space<vmem_shared>>
        %dma_wait3A_54 = arith.constant 0 : i32
        %dma_wait3A_55 = tpu.memref_slice %arg8[%add3A_40, %dma_wait3A_54] : memref<10240x16xf32, #tpu.memory_space<vmem_shared>> -> memref<80x16xf32, #tpu.memory_space<vmem_shared>>
        tpu.wait_dma2 semaphore(%run_scoped3A : memref<!tpu.dma_semaphore, #tpu.memory_space<semaphore_mem>>) src(%dma_wait3A_55 : memref<80x16xf32, #tpu.memory_space<vmem_shared>>) dst(%arg14 : memref<80x16xf32, #tpu.memory_space<vmem>>)
        tpu.yield
      }) : () -> ()
      %scan3A_41 = arith.constant 0 : i32
      %scan3A_42 = arith.constant 80 : i32
      %scan3A_43 = arith.addi %scan3A_41, %scan3A_42 : i32
      %scan3A_44 = arith.constant 1 : i32
      scf.for %scan3A_49 = %scan3A_41 to %scan3A_43 step %scan3A_44  : i32 {
        %mul3A_50 = arith.constant 1 : i32
        %mul3A_51 = arith.muli %scan3A_49, %mul3A_50 : i32
        %add3A_52 = arith.constant 0 : i32
        %add3A_53 = arith.addi %add3A_52, %mul3A_51 : i32
        %get3A = arith.index_cast %add3A_53 : i32 to index
        %get3A_54 = arith.constant 0 : index
        %get3A_55 = tpu.vector_load %arg14[%get3A, %get3A_54] {strides = array<i32>} : memref<80x16xf32, #tpu.memory_space<vmem>>, vector<1x16xf32>,
        %get3A_56 = vector.shape_cast %get3A_55 : vector<1x16xf32> to vector<16xf32>
        %max3A = arith.constant 1.000000e+00 : f32
        %max3A_57 = vector.broadcast %max3A : f32 to vector<16xf32>
        %max3A_58 = arith.maximumf %get3A_56, %max3A_57 : vector<16xf32>
        %div3A = arith.constant 1.000000e+00 : f32
        %div3A_59 = vector.broadcast %div3A : f32 to vector<16xf32>
        %div3A_60 = arith.divf %div3A_59, %max3A_58 : vector<16xf32>
        %get3A_61 = arith.index_cast %add3A_53 : i32 to index
        %get3A_62 = arith.constant 0 : index
        %get3A_63 = tpu.vector_load %arg13[%get3A_61, %get3A_62] {strides = array<i32>} : memref<80x64xf32, #tpu.memory_space<vmem>>, vector<1x16xf32>,
        %get3A_64 = vector.shape_cast %get3A_63 : vector<1x16xf32> to vector<16xf32>
        %mul3A_65 = arith.mulf %get3A_64, %div3A_60 : vector<16xf32>
        %swap3A = arith.index_cast %add3A_53 : i32 to index
        %swap3A_66 = arith.constant 0 : index
        %swap3A_67 = tpu.vector_load %arg13[%swap3A, %swap3A_66] {strides = array<i32>} : memref<80x64xf32, #tpu.memory_space<vmem>>, vector<1x16xf32>,
        %swap3A_68 = vector.shape_cast %swap3A_67 : vector<1x16xf32> to vector<16xf32>
        %swap3A_69 = vector.shape_cast %mul3A_65 : vector<16xf32> to vector<1x16xf32>
        tpu.vector_store %arg13[%swap3A, %swap3A_66], %swap3A_69 {strides = array<i32>} : memref<80x64xf32, #tpu.memory_space<vmem>>, vector<1x16xf32>,
        %get3A_70 = arith.index_cast %add3A_53 : i32 to index
        %get3A_71 = arith.constant 16 : index
        %get3A_72 = tpu.vector_load %arg13[%get3A_70, %get3A_71] {strides = array<i32>} : memref<80x64xf32, #tpu.memory_space<vmem>>, vector<1x16xf32>,
        %get3A_73 = vector.shape_cast %get3A_72 : vector<1x16xf32> to vector<16xf32>
        %mul3A_74 = arith.mulf %get3A_73, %div3A_60 : vector<16xf32>
        %swap3A_75 = arith.index_cast %add3A_53 : i32 to index
        %swap3A_76 = arith.constant 16 : index
        %swap3A_77 = tpu.vector_load %arg13[%swap3A_75, %swap3A_76] {strides = array<i32>} : memref<80x64xf32, #tpu.memory_space<vmem>>, vector<1x16xf32>,
        %swap3A_78 = vector.shape_cast %swap3A_77 : vector<1x16xf32> to vector<16xf32>
        %swap3A_79 = vector.shape_cast %mul3A_74 : vector<16xf32> to vector<1x16xf32>
        tpu.vector_store %arg13[%swap3A_75, %swap3A_76], %swap3A_79 {strides = array<i32>} : memref<80x64xf32, #tpu.memory_space<vmem>>, vector<1x16xf32>,
        %get3A_80 = arith.index_cast %add3A_53 : i32 to index
        %get3A_81 = arith.constant 32 : index
        %get3A_82 = tpu.vector_load %arg13[%get3A_80, %get3A_81] {strides = array<i32>} : memref<80x64xf32, #tpu.memory_space<vmem>>, vector<1x16xf32>,
        %get3A_83 = vector.shape_cast %get3A_82 : vector<1x16xf32> to vector<16xf32>
        %mul3A_84 = arith.mulf %get3A_83, %div3A_60 : vector<16xf32>
        %swap3A_85 = arith.index_cast %add3A_53 : i32 to index
        %swap3A_86 = arith.constant 32 : index
        %swap3A_87 = tpu.vector_load %arg13[%swap3A_85, %swap3A_86] {strides = array<i32>} : memref<80x64xf32, #tpu.memory_space<vmem>>, vector<1x16xf32>,
        %swap3A_88 = vector.shape_cast %swap3A_87 : vector<1x16xf32> to vector<16xf32>
        %swap3A_89 = vector.shape_cast %mul3A_84 : vector<16xf32> to vector<1x16xf32>
        tpu.vector_store %arg13[%swap3A_85, %swap3A_86], %swap3A_89 {strides = array<i32>} : memref<80x64xf32, #tpu.memory_space<vmem>>, vector<1x16xf32>,
        %get3A_90 = arith.index_cast %add3A_53 : i32 to index
        %get3A_91 = arith.constant 48 : index
        %get3A_92 = tpu.vector_load %arg13[%get3A_90, %get3A_91] {strides = array<i32>} : memref<80x64xf32, #tpu.memory_space<vmem>>, vector<1x16xf32>,
        %get3A_93 = vector.shape_cast %get3A_92 : vector<1x16xf32> to vector<16xf32>
        %mul3A_94 = arith.mulf %get3A_93, %div3A_60 : vector<16xf32>
        %swap3A_95 = arith.index_cast %add3A_53 : i32 to index
        %swap3A_96 = arith.constant 48 : index
        %swap3A_97 = tpu.vector_load %arg13[%swap3A_95, %swap3A_96] {strides = array<i32>} : memref<80x64xf32, #tpu.memory_space<vmem>>, vector<1x16xf32>,
        %swap3A_98 = vector.shape_cast %swap3A_97 : vector<1x16xf32> to vector<16xf32>
        %swap3A_99 = vector.shape_cast %mul3A_94 : vector<16xf32> to vector<1x16xf32>
        tpu.vector_store %arg13[%swap3A_95, %swap3A_96], %swap3A_99 {strides = array<i32>} : memref<80x64xf32, #tpu.memory_space<vmem>>, vector<1x16xf32>,
      }
      %scan3A_45 = arith.constant 80 : i32
      %add3A_46 = arith.addi %mul3A_0, %add3A_38 : i32
      %mul3A_47 = arith.constant 64 : i32
      %mul3A_48 = arith.muli %arg0, %mul3A_47 : i32
      "tpu.region"() ({
        %run_scoped3A = tpu.sem_alloc : memref<!tpu.dma_semaphore, #tpu.memory_space<semaphore_mem>>
        %dma_start3A_49 = tpu.memref_slice %arg6[%add3A_46, %mul3A_48] : memref<10240x128xf32, #tpu.memory_space<hbm>> -> memref<80x64xf32, #tpu.memory_space<hbm>>
        %dma_start3A_50 = tpu.memref_slice %arg6[%add3A_46, %mul3A_48] : memref<10240x128xf32, #tpu.memory_space<hbm>> -> memref<80x64xf32, #tpu.memory_space<hbm>>
        tpu.enqueue_dma source(%arg13 : memref<80x64xf32, #tpu.memory_space<vmem>>) target(%dma_start3A_50 : memref<80x64xf32, #tpu.memory_space<hbm>>) target_semaphore(%run_scoped3A : memref<!tpu.dma_semaphore, #tpu.memory_space<semaphore_mem>>)
        %dma_wait3A = tpu.memref_slice %arg6[%add3A_46, %mul3A_48] : memref<10240x128xf32, #tpu.memory_space<hbm>> -> memref<80x64xf32, #tpu.memory_space<hbm>>
        %dma_wait3A_51 = tpu.memref_slice %arg6[%add3A_46, %mul3A_48] : memref<10240x128xf32, #tpu.memory_space<hbm>> -> memref<80x64xf32, #tpu.memory_space<hbm>>
        tpu.wait_dma2 semaphore(%run_scoped3A : memref<!tpu.dma_semaphore, #tpu.memory_space<semaphore_mem>>) src(%arg13 : memref<80x64xf32, #tpu.memory_space<vmem>>) dst(%dma_wait3A_51 : memref<80x64xf32, #tpu.memory_space<hbm>>)
        tpu.yield
      }) : () -> ()
    }
    %scan3A_34 = arith.constant 8 : i32
    return
  }
}

</mosaic_0001>

<sc_bundles>
// kernel: kernel.3.cloned.1.call-start
scs
__scs_entry_jumppad:
0x0: {  	(pc) =	sbr.rel $0x88, $3  }
0x1: {  	(tag) =	ssettag $0x0;
	lr =	simm.s32 $0x1  }
0x2: {  	[smem:$0x3F9F] =	sst lr;
	_ =	strace $0xD0000000  }
0x3: {  	_ = 	snop  }
0x4: {  	_ = 	snop  }
0x5: {  	_ = 	snop  }
0x6: {  	_ = 	snop  }
0x7: {  	_ = 	snop  }
__scs_overlays_trampoline_lowered:
0x8: {  	[smem:$0x3FAE] =	sst s0  }
0x9: {  	[smem:$0x3FAF] =	sst s1  }
0xa: {  	[smem:$0x3FB0] =	sst s2  }
0xb: {  	[smem:$0x3FB1] =	sst s3  }
0xc: {  	[smem:$0x3FB2] =	sst s4  }
0xd: {  	[smem:$0x3FB3] =	sst s5  }
0xe: {  	[smem:$0x3FB4] =	sst s6  }
0xf: {  	[smem:$0x3FB5] =	sst s7  }
0x10: {  	[smem:$0x3FB6] =	sst s8  }
0x11: {  	[smem:$0x3FB7] =	sst s9;
	s0 =	simm.s32 @!p0 $0x0  }
0x12: {  	s1 =	sld [smem:$0x3F9D];
	s0 =	simm.s32 @p0 $0x1  }
0x13: {  	[smem:$0x3FB8] =	sst s0;
	s0 =	simm.s32 @!p1 $0x0  }
0x14: {  	s2 =	sld [smem:$0x3F9C];
	s0 =	simm.s32 @p1 $0x1  }
0x15: {  	[smem:$0x3FB9] =	sst s0;
	s0 =	simm.s32 @!p2 $0x0  }
0x16: {  	s3 =	sld [smem:$0x3FDB];
	s0 =	simm.s32 @p2 $0x1  }
0x17: {  	s4 =	simm.s32 $0x1BF5;
	[smem:$0x3FBB] =	sst s0  }
0x18: {  	s0 =	sld [smem:$0x3F9E];
	_ =	swait.ge [sflag:s4], $0x0  }
0x19: {  	s7 =	sld [smem:$0x3F9F]  }
0x1a: {  	s8 =	sadd.s32 $0xFFFFE003, lr  }
0x1b: {  	s9 =	sadd.s32 $0xFFFFFEF7, lr;
	s5 =	simm.s32 $0xFFFFFFFF;
	p2 =	slt.u32 s8, $0xFFFFF086  }
0x1c: {  	p1 =	slt.u32 s9, $0xF7A;
	s5 =	simm.s32 @!p2 $0x0  }
0x1d: {  	s5 =	simm.s32 @p1 $0x1;
	p0 =	seq.s32 s7, s2  }
0x1e: {  	s7 =	smul.u32 @!p0 $0xF7A, s2;
	p2 =	seq.s32 @!p0 s5, $0x0  }
0x1f: {  	s9 =	smul.u32 $0xF7A, s1;
	s8 =	simm.s32 @!p0 $0x1BF5;
	p2 =	por !p2, p0  }
0x20: {  	[sflag:s8] =	ssyncset.s32 @!p0 $0xFFFFF086;
	s6 =	sadd.s32 @!p0 s3, s7;
	s7 =	simm.s32 @!p0 $0x108  }
0x21: {  	s3 =	sadd.s32 s3, s9;
	s6 =	sadd.s32 @!p0 $0x88, s6;
	s7 =	simm.s32 @p2 $0x1082  }
0x22: {  	[simem:s7], [sflag:s8] =	dma.local @!p0 [hbm:s6], $0xF7A  }
0x23: {  	s9 =	sor.u32 $0xD0000000, s2;
	s6 =	simm.s32 $0x108;
	_ =	swait.ge @!p0 [sflag:s8], $0x0  }
0x24: {  	s3 =	sadd.s32 $0x88, s3;
	s6 =	simm.s32 @!p1 $0x1082;
	[sflag:s4] =	ssyncset.s32 $0xFFFFF086  }
0x25: {  	[simem:s6], [sflag:s4] =	dma.local [hbm:s3], $0xF7A  }
0x26: {  	[smem:$0x3F9F] =	sst s1;
	(tag) =	ssettag s2;
	_ =	strace s9  }
0x27: {  	s1 =	sld [smem:$0x3FAF]  }
0x28: {  	s2 =	sld [smem:$0x3FB0]  }
0x29: {  	s4 =	sld [smem:$0x3FB2]  }
0x2a: {  	p0 =	seq.s32 s5, $0x0;
	s5 =	sld [smem:$0x3FB3]  }
0x2b: {  	s6 =	sld [smem:$0x3FB4]  }
0x2c: {  	s7 =	sld [smem:$0x3FB5]  }
0x2d: {  	s3 =	simm.s32 $0x108;
	s8 =	sld [smem:$0x3FB6]  }
0x2e: {  	s3 =	simm.s32 @!p0 $0x1082;
	s9 =	sld [smem:$0x3FB7]  }
0x2f: {  	lr =	sadd.s32 s0, s3;
	s0 =	sld [smem:$0x3FAE]  }
0x30: {  	s3 =	sld [smem:$0x3FB1]  }
0x31: {  	[smem:$0x3FBA] =	sst s10  }
0x32: {  	s10 =	sld [smem:$0x3FB8];
	_ =	sdelay $0x3  }
0x33: {  	p0 =	seq.s32 s10, $0x1;
	s10 =	sld [smem:$0x3FBA];
	_ =	sdelay $0x3  }
0x34: {  	[smem:$0x3FBA] =	sst s10  }
0x35: {  	s10 =	sld [smem:$0x3FB9];
	_ =	sdelay $0x3  }
0x36: {  	p1 =	seq.s32 s10, $0x1;
	s10 =	sld [smem:$0x3FBA];
	_ =	sdelay $0x3  }
0x37: {  	[smem:$0x3FBA] =	sst s10  }
0x38: {  	s10 =	sld [smem:$0x3FBB]  }
0x39: {  	_ = 	snop;
	(pc) =	sbr.ind lr, $3  }
0x3a: {  	_ = 	snop  }
0x3b: {  	_ = 	snop  }
0x3c: {  	p2 =	seq.s32 s10, $0x1;
	s10 =	sld [smem:$0x3FBA]  }
0x3d: {  	_ =	shalt  }
0x3e: {  	_ =	shalt  }
0x3f: {  	_ =	shalt  }
0x40: {  	_ =	shalt  }
0x41: {  	_ =	shalt  }
0x42: {  	_ =	shalt  }
0x43: {  	_ =	shalt  }
0x44: {  	_ =	shalt  }
0x45: {  	_ =	shalt  }
0x46: {  	_ =	shalt  }
0x47: {  	_ =	shalt  }
0x48: {  	_ =	shalt  }
0x49: {  	_ =	shalt  }
0x4a: {  	_ =	shalt  }
0x4b: {  	_ =	shalt  }
0x4c: {  	_ =	shalt  }
0x4d: {  	_ =	shalt  }
0x4e: {  	_ =	shalt  }
0x4f: {  	_ =	shalt  }
0x50: {  	_ =	shalt  }
0x51: {  	_ =	shalt  }
0x52: {  	_ =	shalt  }
0x53: {  	_ =	shalt  }
0x54: {  	_ =	shalt  }
0x55: {  	_ =	shalt  }
0x56: {  	_ =	shalt  }
0x57: {  	_ =	shalt  }
0x58: {  	_ =	shalt  }
0x59: {  	_ =	shalt  }
0x5a: {  	_ =	shalt  }
0x5b: {  	_ =	shalt  }
0x5c: {  	_ =	shalt  }
0x5d: {  	_ =	shalt  }
0x5e: {  	_ =	shalt  }
0x5f: {  	_ =	shalt  }
0x60: {  	_ =	shalt  }
0x61: {  	_ =	shalt  }
0x62: {  	_ =	shalt  }
0x63: {  	_ =	shalt  }
0x64: {  	_ =	shalt  }
0x65: {  	_ =	shalt  }
0x66: {  	_ =	shalt  }
0x67: {  	_ =	shalt  }
0x68: {  	_ =	shalt  }
0x69: {  	_ =	shalt  }
0x6a: {  	_ =	shalt  }
0x6b: {  	_ =	shalt  }
0x6c: {  	_ =	shalt  }
0x6d: {  	_ =	shalt  }
0x6e: {  	_ =	shalt  }
0x6f: {  	_ =	shalt  }
0x70: {  	_ =	shalt  }
0x71: {  	_ =	shalt  }
0x72: {  	_ =	shalt  }
0x73: {  	_ =	shalt  }
0x74: {  	_ =	shalt  }
0x75: {  	_ =	shalt  }
0x76: {  	_ =	shalt  }
0x77: {  	_ =	shalt  }
0x78: {  	_ =	shalt  }
0x79: {  	_ =	shalt  }
0x7a: {  	_ =	shalt  }
0x7b: {  	_ =	shalt  }
0x7c: {  	_ =	shalt  }
0x7d: {  	_ =	shalt  }
0x7e: {  	_ =	shalt  }
0x7f: {  	_ =	shalt  }
0x80: {  	_ =	shalt  }
0x81: {  	_ =	shalt  }
0x82: {  	_ =	shalt  }
0x83: {  	_ =	shalt  }
0x84: {  	_ =	shalt  }
0x85: {  	_ =	shalt  }
0x86: {  	_ =	shalt  }
0x87: {  	_ =	shalt  }
.Lfunc_end0:
.L_simem_size_0:
called_computation_lowered:
.L_overlay_start_0:
0x88: {  	s2 =	sld [smem:$0x3FD9]  }
0x89: {  	s3 =	sld [smem:$0x3FFE];
	_ =	sdelay $0x1  }
0x8a: {  	s1 =	srdreg.scid  }
0x8b: {  	s0 =	sand.u32 $0x1, s1  }
0x8c: {  	s17 =	sshll.u32 s0, $0xA;
	s2 =	sadd.s32 s3, s2  }
0x8d: {  	s2 =	sadd.s32 s2, s17  }
0x8e: {  	[smem:$0x3FC6] =	sst s2  }
0x8f: {  	_ = 	snop  }
0x90: {  	s2 =	sld [smem:$0x3FD0];
	(tm) =	ssettm $0x1  }
0x91: {  	s18 =	sld [smem:$0x3FFB];
	_ =	sdelay $0x3  }
0x92: {  	_ =	strace s18  }
0x93: {  	s3 =	sld [smem:$0x3FFC];
	_ =	sdelay $0x3  }
0x94: {  	_ =	strace s3  }
0x95: {  	s3 =	sld [smem:$0x3FFD];
	_ =	sdelay $0x3  }
0x96: {  	_ =	strace s3  }
0x97: {  	_ =	strace $0x8FFFFFFF  }
0x98: {  	s19 =	sld [smem:$0x3FDB];
	_ =	sdelay $0x1  }
0x99: {  	s4 =	simm.s32 $_scs_section_size  }
0x9a: {  	s5 =	simm.s32 $_size__tile_overlayer_lowered;
	s6 =	simm.s32 $_tile_overlayer_lowered  }
0x9b: {  	s22 =	simm.s32 $0x1BFF;
	s21 =	sshll.u32 s6, $0x1;
	s3 =	sadd.s32 s4, s19  }
0x9c: {  	s7 =	simm.s32 $0x0;
	s20 =	sshll.u32 s5, $0x1;
	s5 =	sadd.s32 s21, s3  }
0x9d: {  	[timem:s7], [sflag:s22] =	dma.local [hbm:s5], s20  }
0x9e: {  	_ =	swait.ge [sflag:s22], s20  }
0x9f: {  	s4 =	ssub.s32 $0x0, s20;
	[sflag:s22] =	ssyncset.done $0x0  }
0xa0: {  	[sflag:s22] =	ssyncadd.s32 s4;
	_ =	sdelay $0x1  }
0xa1: {  	s23 =	simm.s32 $0x1B8B  }
0xa2: {  	_ =	swait.ge [sflag:s23], $0x1  }
0xa3: {  	[sflag:s23] =	ssyncset.done $0x0  }
0xa4: {  	s25 =	simm.s32 $0x1B8E;
	s24 =	sld [smem:$0x3FFE];
	[sflag:s23] =	ssyncadd.s32 $0xFFFFFFFF  }
0xa5: {  	s26 =	simm.s32 $execute0_lowered;
	[smem:$0x3FD2] =	sst s25  }
0xa6: {  	s5 =	sshll.u32 s26, $0x1;
	_ =	strace $0x80000046;
	[dreg:$0x1] =	wrdreg $0xFFFFFFFF  }
0xa7: {  	s28 =	simm.s32 $_size_execute0_lowered;
	s3 =	sadd.s32 s3, s5;
	[dreg:$0x0] =	wrdreg $0x0  }
0xa8: {  	s5 =	sshll.u32 s28, $0x1;
	[dreg:$0x2] =	wrdreg s3  }
0xa9: {  	[dreg:$0x3] =	wrdreg s5  }
0xaa: {  	[dreg:$0x4] =	wrdreg $0xC0  }
0xab: {  	_ =	task [dreg:s7], $0x5FFFF  }
0xac: {  	[dreg:$0x1] =	wrdreg $0xFFFFFFFF  }
0xad: {  	[dreg:$0x0] =	wrdreg $0x60  }
0xae: {  	[dreg:$0x2] =	wrdreg s24  }
0xaf: {  	[dreg:$0x3] =	wrdreg s2  }
0xb0: {  	[dreg:$0x4] =	wrdreg $0x0  }
0xb1: {  	[dreg:$0x5] =	wrdreg $0xA0000  }
0xb2: {  	[dreg:$0x6] =	wrdreg $0x9  }
0xb3: {  	_ =	task.clear_ibuf [dreg:s7], $0x7FFFF;
	_ =	strace $0x90000046  }
0xb4: {  	s29 =	simm.s32 $0x9;
	_ =	strace $0x80000048  }
0xb5: {  	_ =	swait.ge [sflag:s29], $0x1  }
0xb6: {  	[sflag:s29] =	ssyncadd.s32 $0xFFFFFFFF  }
0xb7: {  	_ =	strace $0x90000048  }
0xb8: {  	_ =	sfence  }
0xb9: {  	s30 =	sld [smem:$0x0];
	_ =	sdelay $0x2  }
0xba: {  	s31 =	sshll.u32 s1, $0xD;
	s1 =	sshrl.u32 s1, $0x2  }
0xbb: {  	s3 =	sand.u32 $0x4000, s31;
	s1 =	sadd.s32 s1, s30  }
0xbc: {  	s0 =	sor.u32 s3, s0;
	s1 =	sshll.u32 s1, $0x11  }
0xbd: {  	s0 =	sor.u32 s1, s0  }
0xbe: {  	s0 =	sadd.s32 $0x8F2B, s0  }
0xbf: {  	[sflag:s0] =	ssyncadd.remote.s32 $0x1  }
0xc0: {  	_ =	sfence.sel $0xFFFF  }
0xc1: {  	[dreg:$0x0] =	wrdreg $0xFFFFFFFF;
	(pc) =	sbr.abs _section_cstart, $3  }
0xc2: {  	[dreg:$0x1] =	wrdreg $0xFFFFFFFF  }
0xc3: {  	_ =	task.clear_ibuf [dreg:s7], $0x2FFFF;
	_ =	strace $0x9FFFFFFF  }
0xc4: {  	(tm) =	ssettm $0x7FFFFFFF  }
0xc5: {  	_ =	shalt  }
tec
execute0_lowered:
.L_overlay_start_1:
0x0: {  	(tag) =	ssettag $0x1  }
0x1: {  	s1 =	rddreg [dreg:$0x0]  }
0x2: {  	s0 =	rddreg [dreg:$0x1]  }
0x3: {  	s2 =	rddreg [dreg:$0x2]  }
0x4: {  	s3 =	rddreg [dreg:$0x3]  }
0x5: {  	s4 =	simm.s32 $0x0;
	s20 =	srdreg.scid;
	s12 =	stileid.u32  }
0x6: {  	s28 =	simm.s32 $0x8;
	s29 =	simm.s32 $0xD;
	s8 =	smul.u32 $0x5000, s12  }
0x7: {  	s30 =	simm.s32 $0xE;
	s31 =	simm.s32 $0xF;
	s11 =	smul.u32 $0xA00, s12  }
0x8: {  	[smem:$0x7FF] =	sst s4;
	s5 =	sadd.s32 $0x1DA00, s1;
	s17 =	smul.u32 $0x280, s12  }
0x9: {  	s4 =	sand.u32 $0x1, s20;
	s6 =	sadd.s32 $0x13A00, s1;
	s23 =	smul.u32 $0x28000, s12  }
0xa: {  	s24 =	smul.u32 $0xA000, s12;
	_ =	strace $0x80000047;
	s7 =	ssub.s32 $0x2, s4  }
0xb: {  	s9 =	sshll.u32 s4, $0x3;
	p0 =	seq.s32 s4, $0x0;
	s10 =	sshrl.u32 s7, $0x1  }
0xc: {  	s9 =	sadd.s32 s9, s1;
	s8 =	sshrl.u32 s8, $0x3;
	s21 =	sadd.s32 s5, s11  }
0xd: {  	s22 =	sadd.s32 s6, s11;
	s4 =	sshrl.u32 s24, $0x2;
	s11 =	sadd.s32 $0xF0, s17  }
0xe: {  	s14 =	sadd.s32 $0x140, s17;
	s18 =	sadd.s32 $0x190, s17;
	[dreg:$0x5] =	wrdreg s17  }
0xf: {  	s1 =	smov.u32 @p0 s0;
	s20 =	sadd.s32 $0x1E0, s17;
	[dreg:$0x6] =	wrdreg s21  }
0x10: {  	s7 =	ssub.s32 s7, s10;
	s8 =	sadd.s32 $0x500, s8;
	[dreg:$0x7] =	wrdreg s22  }
0x11: {  	s25 =	sadd.s32 $0x27A00, s9;
	s4 =	sadd.s32 s4, s3;
	s9 =	sadd.s32 $0xA0, s17  }
0x12: {  	s12 =	sshll.u32 s11, $0x6;
	s13 =	sshll.u32 s11, $0x4;
	s15 =	sshll.u32 s14, $0x6  }
0x13: {  	s19 =	sshll.u32 s18, $0x6;
	s21 =	sshll.u32 s20, $0x6;
	[dreg:$0xa] =	wrdreg s25  }
0x14: {  	s0 =	sshll.u32 s20, $0x4;
	s5 =	sadd.s32 s5, s8;
	[dreg:$0xd] =	wrdreg s4  }
0x15: {  	s20 =	simm.s32 $0x19500;
	s6 =	sadd.s32 s6, s8;
	[dreg:$0x8] =	wrdreg s5  }
0x16: {  	s26 =	smax.u32 s7, $0x1;
	s10 =	sshll.u32 s9, $0x6;
	[dreg:$0x9] =	wrdreg s6  }
0x17: {  	s22 =	sadd.s32 s21, s2;
	s0 =	sadd.s32 s0, s3;
	[dreg:$0xb] =	wrdreg s26  }
0x18: {  	s21 =	simm.s32 $0x6;
	s5 =	sshrl.u32 s23, $0x2;
	[dreg:$0x18] =	wrdreg s22  }
0x19: {  	s6 =	sor.u32 $0x50, s17;
	s23 =	sadd.s32 $0x230, s17;
	[dreg:$0x19] =	wrdreg s0  }
0x1a: {  	s22 =	simm.s32 $0xB;
	s5 =	sadd.s32 s5, s2;
	s7 =	sshll.u32 s6, $0x6  }
0x1b: {  	s24 =	sshll.u32 s23, $0x6;
	[dreg:$0xc] =	wrdreg s5;
	s5 =	sshll.u32 s6, $0x4  }
0x1c: {  	s4 =	sadd.s32 s7, s2;
	s25 =	sadd.s32 s24, s2;
	s7 =	simm.s32 $0x2  }
0x1d: {  	s24 =	simm.s32 $0x7;
	s6 =	simm.s32 $0x0;
	[dreg:$0xe] =	wrdreg s4  }
0x1e: {  	s8 =	sadd.s32 s5, s3;
	s4 =	sshll.u32 s9, $0x4;
	[dreg:$0x1a] =	wrdreg s25  }
0x1f: {  	s5 =	sadd.s32 s10, s2;
	s10 =	simm.s32 $0x1BC10;
	[dreg:$0xf] =	wrdreg s8  }
0x20: {  	s25 =	simm.s32 $0xC;
	[dreg:$0x10] =	wrdreg s5;
	s4 =	sadd.s32 s4, s3  }
0x21: {  	s5 =	sshll.u32 s14, $0x4;
	[dreg:$0x11] =	wrdreg s4;
	s4 =	sadd.s32 s12, s2  }
0x22: {  	s8 =	simm.s32 $0x7D;
	s16 =	sadd.s32 s5, s3;
	[dreg:$0x12] =	wrdreg s4  }
0x23: {  	s14 =	simm.s32 $0x13740;
	s5 =	sadd.s32 s19, s2;
	[dreg:$0x15] =	wrdreg s16  }
0x24: {  	s12 =	simm.s32 $0x11800;
	s4 =	sadd.s32 s13, s3;
	[dreg:$0x16] =	wrdreg s5  }
0x25: {  	s19 =	simm.s32 $0x1B440;
	[dreg:$0x13] =	wrdreg s4;
	s4 =	sadd.s32 s15, s2  }
0x26: {  	s5 =	simm.s32 $0x10;
	[dreg:$0x14] =	wrdreg s4;
	s4 =	sshll.u32 s18, $0x4  }
0x27: {  	s16 =	simm.s32 $0x15680;
	s13 =	simm.s32 $0x5;
	s4 =	sadd.s32 s4, s3  }
0x28: {  	s15 =	simm.s32 $0x9;
	[dreg:$0x17] =	wrdreg s4;
	s4 =	sshll.u32 s23, $0x4  }
0x29: {  	s18 =	simm.s32 $0x175C0;
	s23 =	simm.s32 $0x3;
	s26 =	sadd.s32 s4, s3  }
0x2a: {  	v0 =	vimm.f32 $1.000000000e+00;
	v1 =	vimm.f32 $0.0e+00;
	s4 =	simm.s32 $0x1;
	[dreg:$0x1b] =	wrdreg s26;
	s26 =	simm.s32 $0x4  }
.LBB2_1:
0x2b: {  	s0 =	simm.s32 $0x0;
	s17 =	rddreg [dreg:$0x6];
	s9 =	simm.s32 $0xC800  }
0x2c: {  	[tilespmem:s9], [sflag:$0x1] =	stream.linear.gather [hbm4b:s17+s0], $0x2800, $0x38;
	[tilespmem:$0x1D510] =	vst v63  }
0x2d: {  	s11 =	rddreg [dreg:$0x7];
	s17 =	simm.s32 $0xF000  }
0x2e: {  	[tilespmem:s17], [sflag:$0x2] =	stream.linear.gather [hbm4b:s11+s0], $0x2800, $0x38;
	[tilespmem:$0x1D510] =	vst v63  }
0x2f: {  	[dreg:$0x1c] =	wrdreg s6;
	s0 =	simm.s32 $0x0  }
.LBB2_2:
0x30: {  	p0 =	sne.s32 s0, $0x1F00  }
.Ltmp0:
0x31: {  	_ = 	snop;
	(pc) =	sbr.rel @p0 .LBB2_2-.Ltmp0, $3  }
0x32: {  	_ =	sdelay $0x1  }
0x33: {  	s6 =	sshra.s32 s0, $0x2  }
0x34: {  	s0 =	sadd.s32 $0x40, s0;
	[tilespmem:s6+$0x1B440] =	vst v0  }
0x35: {  	s0 =	simm.s32 $0x0  }
0x36: {  	s6 =	simm.s32 $0x1BC30;
	[tilespmem:s0+$0x1D010] =	vst v1  }
0x37: {  	[tilespmem:s6+$0xFFFFFFE0] =	vst v1  }
0x38: {  	[tilespmem:s6+$0xFFFFFFF0] =	vst v1  }
0x39: {  	[tilespmem:s6+$0x0] =	vst v1  }
0x3a: {  	s9 =	simm.s32 $0x40;
	[tilespmem:s6+$0x10] =	vst v1  }
.LBB2_4:
0x3b: {  	s0 =	sshra.s32 s9, $0x2;
	p0 =	sne.s32 s9, $0x13C0  }
.Ltmp1:
0x3c: {  	s9 =	sadd.s32 $0x40, s9;
	s6 =	sadd.s32 $0x40, s6;
	[tilespmem:s0+$0x1D010] =	vst v1;
	(pc) =	sbr.rel @p0 .LBB2_4-.Ltmp1, $4  }
0x3d: {  	[tilespmem:s6+$0xFFFFFFE0] =	vst v1  }
0x3e: {  	[tilespmem:s6+$0xFFFFFFF0] =	vst v1  }
0x3f: {  	[tilespmem:s6+$0x0] =	vst v1  }
0x40: {  	[tilespmem:s6+$0x10] =	vst v1  }
0x41: {  	s0 =	rddreg [dreg:$0xc]  }
0x42: {  	[spmem:s0] =	stream.linear.scatter [tilespmem:s10], [sflag:$0x10], $0x1400, $0x38;
	[tilespmem:$0x1D510] =	vst v63  }
0x43: {  	_ =	swait.ge [sflag:s5], $0x1400  }
0x44: {  	[sflag:s5] =	ssyncset.done $0x0  }
0x45: {  	s6 =	simm.s32 $0x1D010;
	s9 =	rddreg [dreg:$0xd];
	[sflag:s5] =	ssyncadd.s32 $0xFFFFEC00  }
0x46: {  	[spmem:s9] =	stream.linear.scatter [tilespmem:s6], [sflag:$0x10], $0x500, $0x38;
	[tilespmem:$0x1D510] =	vst v63  }
0x47: {  	_ =	swait.ge [sflag:s5], $0x500  }
0x48: {  	[sflag:s5] =	ssyncset.done $0x0  }
0x49: {  	s11 =	rddreg [dreg:$0xe];
	[sflag:s5] =	ssyncadd.s32 $0xFFFFFB00  }
0x4a: {  	[spmem:s11] =	stream.linear.scatter [tilespmem:s10], [sflag:$0x10], $0x1400, $0x38;
	[tilespmem:$0x1D510] =	vst v63  }
0x4b: {  	_ =	swait.ge [sflag:s5], $0x1400  }
0x4c: {  	[sflag:s5] =	ssyncset.done $0x0  }
0x4d: {  	s17 =	rddreg [dreg:$0xf];
	[sflag:s5] =	ssyncadd.s32 $0xFFFFEC00  }
0x4e: {  	[spmem:s17] =	stream.linear.scatter [tilespmem:s6], [sflag:$0x10], $0x500, $0x38;
	[tilespmem:$0x1D510] =	vst v63  }
0x4f: {  	_ =	swait.ge [sflag:s5], $0x500  }
0x50: {  	[sflag:s5] =	ssyncset.done $0x0  }
0x51: {  	s9 =	rddreg [dreg:$0x10];
	[sflag:s5] =	ssyncadd.s32 $0xFFFFFB00  }
0x52: {  	[spmem:s9] =	stream.linear.scatter [tilespmem:s10], [sflag:$0x10], $0x1400, $0x38;
	[tilespmem:$0x1D510] =	vst v63  }
0x53: {  	_ =	swait.ge [sflag:s5], $0x1400  }
0x54: {  	[sflag:s5] =	ssyncset.done $0x0  }
0x55: {  	s11 =	rddreg [dreg:$0x11];
	[sflag:s5] =	ssyncadd.s32 $0xFFFFEC00  }
0x56: {  	[spmem:s11] =	stream.linear.scatter [tilespmem:s6], [sflag:$0x10], $0x500, $0x38;
	[tilespmem:$0x1D510] =	vst v63  }
0x57: {  	_ =	swait.ge [sflag:s5], $0x500  }
0x58: {  	[sflag:s5] =	ssyncset.done $0x0  }
0x59: {  	s17 =	rddreg [dreg:$0x12];
	[sflag:s5] =	ssyncadd.s32 $0xFFFFFB00  }
0x5a: {  	[spmem:s17] =	stream.linear.scatter [tilespmem:s10], [sflag:$0x10], $0x1400, $0x38;
	[tilespmem:$0x1D510] =	vst v63  }
0x5b: {  	_ =	swait.ge [sflag:s5], $0x1400  }
0x5c: {  	[sflag:s5] =	ssyncset.done $0x0  }
0x5d: {  	s9 =	rddreg [dreg:$0x13];
	[sflag:s5] =	ssyncadd.s32 $0xFFFFEC00  }
0x5e: {  	[spmem:s9] =	stream.linear.scatter [tilespmem:s6], [sflag:$0x10], $0x500, $0x38;
	[tilespmem:$0x1D510] =	vst v63  }
0x5f: {  	_ =	swait.ge [sflag:s5], $0x500  }
0x60: {  	[sflag:s5] =	ssyncset.done $0x0  }
0x61: {  	s11 =	rddreg [dreg:$0x14];
	[sflag:s5] =	ssyncadd.s32 $0xFFFFFB00  }
0x62: {  	[spmem:s11] =	stream.linear.scatter [tilespmem:s10], [sflag:$0x10], $0x1400, $0x38;
	[tilespmem:$0x1D510] =	vst v63  }
0x63: {  	_ =	swait.ge [sflag:s5], $0x1400  }
0x64: {  	[sflag:s5] =	ssyncset.done $0x0  }
0x65: {  	s17 =	rddreg [dreg:$0x15];
	[sflag:s5] =	ssyncadd.s32 $0xFFFFEC00  }
0x66: {  	[spmem:s17] =	stream.linear.scatter [tilespmem:s6], [sflag:$0x10], $0x500, $0x38;
	[tilespmem:$0x1D510] =	vst v63  }
0x67: {  	_ =	swait.ge [sflag:s5], $0x500  }
0x68: {  	[sflag:s5] =	ssyncset.done $0x0  }
0x69: {  	s9 =	rddreg [dreg:$0x16];
	[sflag:s5] =	ssyncadd.s32 $0xFFFFFB00  }
0x6a: {  	[spmem:s9] =	stream.linear.scatter [tilespmem:s10], [sflag:$0x10], $0x1400, $0x38;
	[tilespmem:$0x1D510] =	vst v63  }
0x6b: {  	_ =	swait.ge [sflag:s5], $0x1400  }
0x6c: {  	[sflag:s5] =	ssyncset.done $0x0  }
0x6d: {  	s11 =	rddreg [dreg:$0x17];
	[sflag:s5] =	ssyncadd.s32 $0xFFFFEC00  }
0x6e: {  	[spmem:s11] =	stream.linear.scatter [tilespmem:s6], [sflag:$0x10], $0x500, $0x38;
	[tilespmem:$0x1D510] =	vst v63  }
0x6f: {  	_ =	swait.ge [sflag:s5], $0x500  }
0x70: {  	[sflag:s5] =	ssyncset.done $0x0  }
0x71: {  	s17 =	rddreg [dreg:$0x18];
	[sflag:s5] =	ssyncadd.s32 $0xFFFFFB00  }
0x72: {  	[spmem:s17] =	stream.linear.scatter [tilespmem:s10], [sflag:$0x10], $0x1400, $0x38;
	[tilespmem:$0x1D510] =	vst v63  }
0x73: {  	_ =	swait.ge [sflag:s5], $0x1400  }
0x74: {  	[sflag:s5] =	ssyncset.done $0x0  }
0x75: {  	s9 =	rddreg [dreg:$0x19];
	[sflag:s5] =	ssyncadd.s32 $0xFFFFEC00  }
0x76: {  	[spmem:s9] =	stream.linear.scatter [tilespmem:s6], [sflag:$0x10], $0x500, $0x38;
	[tilespmem:$0x1D510] =	vst v63  }
0x77: {  	_ =	swait.ge [sflag:s5], $0x500  }
0x78: {  	[sflag:s5] =	ssyncset.done $0x0  }
0x79: {  	s11 =	rddreg [dreg:$0x1a];
	[sflag:s5] =	ssyncadd.s32 $0xFFFFFB00  }
0x7a: {  	[spmem:s11] =	stream.linear.scatter [tilespmem:s10], [sflag:$0x10], $0x1400, $0x38;
	[tilespmem:$0x1D510] =	vst v63  }
0x7b: {  	_ =	swait.ge [sflag:s5], $0x1400  }
0x7c: {  	[sflag:s5] =	ssyncset.done $0x0  }
0x7d: {  	s17 =	rddreg [dreg:$0x1b];
	[sflag:s5] =	ssyncadd.s32 $0xFFFFEC00  }
0x7e: {  	[spmem:s17] =	stream.linear.scatter [tilespmem:s6], [sflag:$0x10], $0x500, $0x38;
	[tilespmem:$0x1D510] =	vst v63  }
.Ltmp2:
0x7f: {  	_ =	swait.ge [sflag:s5], $0x500;
	(pc) =	sbr.rel .LBB2_6-.Ltmp2, $4  }
0x80: {  	[sflag:s5] =	ssyncset.done $0x0  }
0x81: {  	[sflag:s5] =	ssyncadd.s32 $0xFFFFFB00  }
0x82: {  	[bflag:$0x0] =	sbarrier.arrive $0xFFFF  }
0x83: {  	p1 =	por $0x1, $0x1;
	p2 =	por $0x0, $0x0  }
.LBB2_9:
0x84: {  	s0 =	simm.s32 $0xA  }
0x85: {  	_ =	swait.ge [sflag:s0], $0x1F40  }
.Ltmp3:
0x86: {  	[sflag:s0] =	ssyncset.done $0x0;
	(pc) =	sbr.rel @!p0 .LBB2_10-.Ltmp3, $4  }
0x87: {  	[sflag:s0] =	ssyncadd.s32 $0xFFFFE0C0  }
0x88: {  	_ =	swait.ge [sflag:s31], $0x7D0  }
0x89: {  	[sflag:s31] =	ssyncset.done $0x0  }
0x8a: {  	p1 =	por $0x0, $0x0;
	p2 =	por $0x1, $0x1;
	[sflag:s31] =	ssyncadd.s32 $0xFFFFF830  }
.LBB2_6:
0x8b: {  	s0 =	simm.s32 @p2 $0x0;
	s6 =	simm.s32 @p2 $0xC800;
	s9 =	rddreg [dreg:$0x8]  }
0x8c: {  	[tilespmem:s6], [sflag:$0x1] =	stream.linear.gather @p2 [hbm4b:s9+s0], $0x2800, $0x38;
	[tilespmem:$0x1D510] =	vst v63  }
0x8d: {  	s6 =	simm.s32 @p2 $0xF000;
	s9 =	rddreg [dreg:$0x9]  }
0x8e: {  	[tilespmem:s6], [sflag:$0x2] =	stream.linear.gather @p2 [hbm4b:s9+s0], $0x2800, $0x38;
	[tilespmem:$0x1D510] =	vst v63  }
0x8f: {  	_ =	swait.ge [sflag:s4], $0x2800  }
0x90: {  	[sflag:s4] =	ssyncset.done $0x0  }
0x91: {  	[sflag:s4] =	ssyncadd.s32 $0xFFFFD800  }
0x92: {  	_ =	swait.ge [sflag:s7], $0x2800  }
0x93: {  	[sflag:s7] =	ssyncset.done $0x0  }
0x94: {  	s9 =	simm.s32 $0xC800;
	[sflag:s7] =	ssyncadd.s32 $0xFFFFD800  }
0x95: {  	[tilespmem:s12], [sflag:$0x1] =	stream.indirect.gather [hbm4b:s1+s8], $0x40, s9, s8, $0xb8;
	[tilespmem:$0x1D510] =	vst v63  }
0x96: {  	s10 =	simm.s32 $0xC880  }
0x97: {  	[tilespmem:s14], [sflag:$0x2] =	stream.indirect.gather [hbm4b:s1+s8], $0x40, s10, s8, $0xb8;
	[tilespmem:$0x1D510] =	vst v63  }
0x98: {  	s11 =	simm.s32 $0xC900  }
0x99: {  	[tilespmem:s16], [sflag:$0x3] =	stream.indirect.gather [hbm4b:s1+s8], $0x40, s11, s8, $0xb8;
	[tilespmem:$0x1D510] =	vst v63  }
0x9a: {  	s17 =	simm.s32 $0xC980;
	p0 =	por p1, p1;
	s6 =	simm.s32 $0x0  }
0x9b: {  	[tilespmem:s18], [sflag:$0x4] =	stream.indirect.gather [hbm4b:s1+s8], $0x40, s17, s8, $0xb8;
	[tilespmem:$0x1D510] =	vst v63  }
.LBB2_7:
0x9c: {  	_ =	swait.ge [sflag:s4], $0x1F40  }
0x9d: {  	s9 =	sshra.s32 s6, $0x2;
	[sflag:s4] =	ssyncset.done $0x0  }
0x9e: {  	s0 =	sadd.s32 $0xF000, s9;
	[sflag:s4] =	ssyncadd.s32 $0xFFFFE0C0  }
0x9f: {  	[spmem:s2] =	stream.indirect.scatter.add.f32 [tilespmem:s12], [sflag:$0x6], $0x40, s0, s8, $0xb8;
	[tilespmem:$0x1D510] =	vst v63  }
0xa0: {  	p1 =	seq.s32 s6, $0x0  }
0xa1: {  	[spmem:s3] =	stream.indirect.scatter.add.f32 [tilespmem:s19], [sflag:$0xB], $0x10, s0, s8, $0xb8;
	[tilespmem:$0x1D510] =	vst v63  }
0xa2: {  	s0 =	simm.s32 @!p1 $0xA  }
0xa3: {  	_ =	swait.ge @!p1 [sflag:s0], $0x1F40  }
0xa4: {  	[sflag:s0] =	ssyncset.done @!p1 $0x0  }
0xa5: {  	[sflag:s0] =	ssyncadd.s32 @!p1 $0xFFFFE0C0;
	s0 =	simm.s32 @!p1 $0xF  }
0xa6: {  	_ =	swait.ge @!p1 [sflag:s0], $0x7D0  }
0xa7: {  	[sflag:s0] =	ssyncset.done @!p1 $0x0  }
0xa8: {  	s10 =	sadd.s32 $0xCA00, s9;
	[sflag:s0] =	ssyncadd.s32 @!p1 $0xFFFFF830  }
0xa9: {  	[tilespmem:s20], [sflag:$0x5] =	stream.indirect.gather [hbm4b:s1+s8], $0x40, s10, s8, $0xb8;
	[tilespmem:$0x1D510] =	vst v63  }
0xaa: {  	_ =	swait.ge [sflag:s7], $0x1F40  }
0xab: {  	[sflag:s7] =	ssyncset.done $0x0  }
0xac: {  	s11 =	sadd.s32 $0xF080, s9;
	[sflag:s7] =	ssyncadd.s32 $0xFFFFE0C0  }
0xad: {  	[spmem:s2] =	stream.indirect.scatter.add.f32 [tilespmem:s14], [sflag:$0x7], $0x40, s11, s8, $0xb8;
	[tilespmem:$0x1D510] =	vst v63  }
0xae: {  	_ = 	snop  }
0xaf: {  	[spmem:s3] =	stream.indirect.scatter.add.f32 [tilespmem:s19], [sflag:$0xC], $0x10, s11, s8, $0xb8;
	[tilespmem:$0x1D510] =	vst v63  }
0xb0: {  	_ =	swait.ge [sflag:s21], $0x1F40  }
0xb1: {  	[sflag:s21] =	ssyncset.done $0x0  }
0xb2: {  	[sflag:s21] =	ssyncadd.s32 $0xFFFFE0C0  }
0xb3: {  	p1 =	seq.s32 s6, $0x9600;
	_ =	swait.ge [sflag:s22], $0x7D0  }
0xb4: {  	s0 =	sshra.s32 @!p1 s6, $0x2;
	s17 =	simm.s32 @!p1 $0x11800;
	[sflag:s22] =	ssyncset.done $0x0  }
0xb5: {  	s10 =	sadd.s32 @!p1 $0xCA80, s0;
	s11 =	simm.s32 @!p1 $0x7D;
	[sflag:s22] =	ssyncadd.s32 $0xFFFFF830  }
0xb6: {  	[tilespmem:s17], [sflag:$0x1] =	stream.indirect.gather @!p1 [hbm4b:s1+s11], $0x40, s10, s11, $0xb8;
	[tilespmem:$0x1D510] =	vst v63  }
0xb7: {  	_ =	swait.ge [sflag:s23], $0x1F40  }
0xb8: {  	[sflag:s23] =	ssyncset.done $0x0  }
0xb9: {  	s17 =	sadd.s32 $0xF100, s9;
	[sflag:s23] =	ssyncadd.s32 $0xFFFFE0C0  }
0xba: {  	[spmem:s2] =	stream.indirect.scatter.add.f32 [tilespmem:s16], [sflag:$0x8], $0x40, s17, s8, $0xb8;
	[tilespmem:$0x1D510] =	vst v63  }
0xbb: {  	_ = 	snop  }
0xbc: {  	[spmem:s3] =	stream.indirect.scatter.add.f32 [tilespmem:s19], [sflag:$0xD], $0x10, s17, s8, $0xb8;
	[tilespmem:$0x1D510] =	vst v63  }
0xbd: {  	_ =	swait.ge [sflag:s24], $0x1F40  }
0xbe: {  	[sflag:s24] =	ssyncset.done $0x0  }
0xbf: {  	[sflag:s24] =	ssyncadd.s32 $0xFFFFE0C0  }
0xc0: {  	_ =	swait.ge [sflag:s25], $0x7D0  }
0xc1: {  	[sflag:s25] =	ssyncset.done $0x0  }
0xc2: {  	s10 =	sadd.s32 @!p1 $0xCB00, s0;
	s17 =	simm.s32 @!p1 $0x13740;
	[sflag:s25] =	ssyncadd.s32 $0xFFFFF830  }
0xc3: {  	[tilespmem:s17], [sflag:$0x2] =	stream.indirect.gather @!p1 [hbm4b:s1+s11], $0x40, s10, s11, $0xb8;
	[tilespmem:$0x1D510] =	vst v63  }
0xc4: {  	_ =	swait.ge [sflag:s26], $0x1F40  }
0xc5: {  	[sflag:s26] =	ssyncset.done $0x0  }
0xc6: {  	s17 =	sadd.s32 $0xF180, s9;
	[sflag:s26] =	ssyncadd.s32 $0xFFFFE0C0  }
0xc7: {  	[spmem:s2] =	stream.indirect.scatter.add.f32 [tilespmem:s18], [sflag:$0x9], $0x40, s17, s8, $0xb8;
	[tilespmem:$0x1D510] =	vst v63  }
0xc8: {  	_ = 	snop  }
0xc9: {  	[spmem:s3] =	stream.indirect.scatter.add.f32 [tilespmem:s19], [sflag:$0xE], $0x10, s17, s8, $0xb8;
	[tilespmem:$0x1D510] =	vst v63  }
0xca: {  	_ =	swait.ge [sflag:s28], $0x1F40  }
0xcb: {  	[sflag:s28] =	ssyncset.done $0x0  }
0xcc: {  	[sflag:s28] =	ssyncadd.s32 $0xFFFFE0C0  }
0xcd: {  	_ =	swait.ge [sflag:s29], $0x7D0  }
0xce: {  	[sflag:s29] =	ssyncset.done $0x0  }
0xcf: {  	s0 =	sadd.s32 @!p1 $0xCB80, s0;
	s10 =	simm.s32 @!p1 $0x15680;
	[sflag:s29] =	ssyncadd.s32 $0xFFFFF830  }
0xd0: {  	[tilespmem:s10], [sflag:$0x3] =	stream.indirect.gather @!p1 [hbm4b:s1+s11], $0x40, s0, s11, $0xb8;
	[tilespmem:$0x1D510] =	vst v63  }
0xd1: {  	_ =	swait.ge [sflag:s13], $0x1F40  }
0xd2: {  	[sflag:s13] =	ssyncset.done $0x0  }
0xd3: {  	s17 =	sadd.s32 $0xF200, s9;
	[sflag:s13] =	ssyncadd.s32 $0xFFFFE0C0  }
0xd4: {  	[spmem:s2] =	stream.indirect.scatter.add.f32 [tilespmem:s20], [sflag:$0xA], $0x40, s17, s8, $0xb8;
	[tilespmem:$0x1D510] =	vst v63  }
0xd5: {  	_ = 	snop  }
0xd6: {  	[spmem:s3] =	stream.indirect.scatter.add.f32 [tilespmem:s19], [sflag:$0xF], $0x10, s17, s8, $0xb8;
	[tilespmem:$0x1D510] =	vst v63  }
0xd7: {  	_ =	swait.ge [sflag:s15], $0x1F40  }
.Ltmp4:
0xd8: {  	[sflag:s15] =	ssyncset.done $0x0;
	(pc) =	sbr.rel @p1 .LBB2_9-.Ltmp4, $4  }
0xd9: {  	[sflag:s15] =	ssyncadd.s32 $0xFFFFE0C0  }
0xda: {  	_ =	swait.ge [sflag:s30], $0x7D0  }
0xdb: {  	[sflag:s30] =	ssyncset.done $0x0  }
0xdc: {  	[sflag:s30] =	ssyncadd.s32 $0xFFFFF830  }
.Ltmp5:
0xdd: {  	(pc) =	sbr.rel .LBB2_7-.Ltmp5, $3  }
0xde: {  	_ =	sdelay $0x1  }
0xdf: {  	s0 =	sadd.s32 $0xCC00, s9;
	s6 =	sadd.s32 $0xA00, s6  }
0xe0: {  	[tilespmem:s18], [sflag:$0x4] =	stream.indirect.gather [hbm4b:s1+s8], $0x40, s0, s8, $0xb8;
	[tilespmem:$0x1D510] =	vst v63  }
.LBB2_10:
0xe1: {  	[bflag:$0x0] =	sbarrier.arrive $0xFFFF  }
0xe2: {  	s6 =	simm.s32 $0x0;
	s10 =	simm.s32 $0x1BC10;
	s17 =	rddreg [dreg:$0x5]  }
.LBB2_11:
0xe3: {  	s0 =	smul.u32 $0x50, s6;
	_ =	sdelay $0x1  }
0xe4: {  	s0 =	sadd.s32 s17, s0  }
0xe5: {  	s9 =	sshll.u32 s0, $0x6  }
0xe6: {  	s9 =	sand.u32 $0x3FFFFFC0, s9  }
0xe7: {  	s9 =	sadd.s32 s9, s2  }
0xe8: {  	[tilespmem:s10], [sflag:$0x10] =	stream.linear.gather [spmem:s9], $0x1400, $0x38;
	[tilespmem:$0x1D510] =	vst v63  }
0xe9: {  	s9 =	sshll.u32 s0, $0x4;
	_ =	swait.ge [sflag:s5], $0x1400  }
0xea: {  	s0 =	sand.u32 $0x3FFFFFF0, s9;
	[sflag:s5] =	ssyncset.done $0x0  }
0xeb: {  	s11 =	simm.s32 $0x1D010;
	s0 =	sadd.s32 s0, s3;
	[sflag:s5] =	ssyncadd.s32 $0xFFFFEC00  }
0xec: {  	[tilespmem:s11], [sflag:$0x10] =	stream.linear.gather [spmem:s0], $0x500, $0x38;
	[tilespmem:$0x1D510] =	vst v63  }
0xed: {  	_ =	swait.ge [sflag:s5], $0x500  }
0xee: {  	[sflag:s5] =	ssyncset.done $0x0  }
0xef: {  	s11 =	simm.s32 $0x0;
	[sflag:s5] =	ssyncadd.s32 $0xFFFFFB00  }
0xf0: {  	v2 =	vld [tilespmem:s11+$0x1D010];
	_ =	sdelay $0x4  }
0xf1: {  	v2 =	vmax.f32 v2, $1.000000000e+00  }
0xf2: {  	(erf) = vrcp.f32 v2;
	_ =	sdelay $0x3  }
0xf3: {  	s10 =	simm.s32 $0x1BC30  }
0xf4: {  	v2 =	vld [tilespmem:s10+$0xFFFFFFE0]  }
0xf5: {  	v3 =	vld [tilespmem:s10+$0xFFFFFFF0]  }
0xf6: {  	v4 =	vld [tilespmem:s10+$0x0]  }
0xf7: {  	v5 =	vld [tilespmem:s10+$0x10]  }
0xf8: {  	v6 =	vpop (erf)  }
0xf9: {  	v2 =	vmul.f32 v6, v2  }
0xfa: {  	v3 =	vmul.f32 v3, v6  }
0xfb: {  	v4 =	vmul.f32 v4, v6;
	[tilespmem:s10+$0xFFFFFFE0] =	vst v2  }
0xfc: {  	v2 =	vmul.f32 v5, v6;
	[tilespmem:s10+$0xFFFFFFF0] =	vst v3  }
0xfd: {  	[tilespmem:s10+$0x0] =	vst v4  }
0xfe: {  	s0 =	simm.s32 $0x10;
	s11 =	simm.s32 $0x80;
	[tilespmem:s10+$0x10] =	vst v2  }
.LBB2_12:
0xff: {  	p0 =	sne.s32 s11, $0x13C0;
	v2 =	vld [tilespmem:s0+$0x1D010];
	_ =	sdelay $0x4  }
0x100: {  	v2 =	vmax.f32 v2, $1.000000000e+00  }
0x101: {  	(erf) = vrcp.f32 v2;
	_ =	sdelay $0x1  }
0x102: {  	s10 =	sadd.s32 $0x40, s10  }
0x103: {  	v2 =	vld [tilespmem:s10+$0xFFFFFFF0]  }
0x104: {  	v3 =	vld [tilespmem:s10+$0x10]  }
0x105: {  	v4 =	vld [tilespmem:s10+$0xFFFFFFE0]  }
0x106: {  	v5 =	vld [tilespmem:s10+$0x0];
	_ =	sdelay $0x2  }
0x107: {  	v6 =	vpop (erf)  }
0x108: {  	v4 =	vmul.f32 v6, v4;
	v2 =	vmul.f32 v2, v6  }
.Ltmp6:
0x109: {  	v3 =	vmul.f32 v3, v6;
	v5 =	vmul.f32 v5, v6;
	(pc) =	sbr.rel @p0 .LBB2_12-.Ltmp6, $4  }
0x10a: {  	[tilespmem:s10+$0xFFFFFFE0] =	vst v4  }
0x10b: {  	[tilespmem:s10+$0xFFFFFFF0] =	vst v2  }
0x10c: {  	[tilespmem:s10+$0x0] =	vst v5  }
0x10d: {  	s0 =	sshra.s32 s11, $0x2;
	s11 =	sadd.s32 $0x40, s11;
	[tilespmem:s10+$0x10] =	vst v3  }
0x10e: {  	v2 =	vld [tilespmem:s0+$0x1D010];
	_ =	sdelay $0x4  }
0x10f: {  	v2 =	vmax.f32 v2, $1.000000000e+00  }
0x110: {  	(erf) = vrcp.f32 v2;
	_ =	sdelay $0x3  }
0x111: {  	s10 =	sadd.s32 $0x40, s10  }
0x112: {  	v2 =	vld [tilespmem:s10+$0xFFFFFFE0]  }
0x113: {  	v3 =	vld [tilespmem:s10+$0xFFFFFFF0]  }
0x114: {  	v4 =	vld [tilespmem:s10+$0x0]  }
0x115: {  	v5 =	vld [tilespmem:s10+$0x10]  }
0x116: {  	v6 =	vpop (erf)  }
0x117: {  	v2 =	vmul.f32 v6, v2  }
0x118: {  	v3 =	vmul.f32 v3, v6  }
0x119: {  	v4 =	vmul.f32 v4, v6;
	[tilespmem:s10+$0xFFFFFFE0] =	vst v2  }
0x11a: {  	s11 =	rddreg [dreg:$0xa];
	s6 =	sadd.s32 $0x1, s6;
	v2 =	vmul.f32 v5, v6;
	[tilespmem:s10+$0xFFFFFFF0] =	vst v3  }
0x11b: {  	s0 =	sadd.s32 s9, s11;
	s9 =	simm.s32 $0x40;
	p0 =	sne.s32 s6, $0x8;
	[tilespmem:s10+$0x0] =	vst v4  }
.Ltmp7:
0x11c: {  	s11 =	simm.s32 $0x80;
	[tilespmem:s10+$0x10] =	vst v2;
	s10 =	simm.s32 $0x1BC10;
	(pc) =	sbr.rel @p0 .LBB2_11-.Ltmp7, $4  }
0x11d: {  	[hbm4b:s0+s9] =	stream.strided.scatter [tilespmem:s10], [sflag:$0x10], $0x1400, s11, s9, $0x38;
	[tilespmem:$0x1D510] =	vst v63  }
0x11e: {  	_ =	swait.ge [sflag:s5], $0x1400  }
0x11f: {  	[sflag:s5] =	ssyncset.done $0x0  }
0x120: {  	[sflag:s5] =	ssyncadd.s32 $0xFFFFEC00  }
0x121: {  	s6 =	rddreg [dreg:$0x1c]  }
0x122: {  	s0 =	rddreg [dreg:$0xb];
	s6 =	sadd.s32 $0x1, s6  }
0x123: {  	p0 =	sne.s32 s6, s0  }
.Ltmp8:
0x124: {  	_ = 	snop;
	(pc) =	sbr.rel @p0 .LBB2_1-.Ltmp8, $1  }
0x125: {  	_ =	sdelay $0x3  }
0x126: {  	_ =	sfence.sel $0x180000  }
0x127: {  	[bflag:$0x0] =	sbarrier.arrive $0xFFFF  }
0x128: {  	_ =	strace $0x90000047  }
0x129: {  	s0 =	stileid.u32;
	[bflag:$0x2] =	sbarrier.arrive $0xFFFF  }
0x12a: {  	p0 =	sne.s32 s0, $0x0;
	s0 =	rddreg [dreg:$0x4]  }
0x12b: {  	s0 =	sadd.s32 @!p0 $0x100000, s0  }
0x12c: {  	[sflag:s0] =	ssyncadd.tile.s32 @!p0 $0x1;
	_ =	shalt  }
.Lfunc_end2:
_tile_overlayer_lowered:
.L_overlay_start_2:
0x12d: {  	(tag) =	ssettag $0x2  }
0x12e: {  	s0 =	rddreg [dreg:$0x0];
	s2 =	stileid.u32  }
0x12f: {  	s1 =	rddreg [dreg:$0x1];
	p0 =	sne.s32 s2, $0x0  }
0x130: {  	s3 =	rddreg [dreg:$0x2];
	[bflag:$0x3] =	sbarrier.arrive $0xFFFF;
	s2 =	simm.s32 @!p0 $0x1C10  }
0x131: {  	[timem:s3], [sflag:s2] =	dma.local @!p0 [hbm:s0], s1  }
0x132: {  	s0 =	simm.s32 @!p0 $0x10  }
0x133: {  	_ =	swait.ge @!p0 [sflag:s0], s1  }
0x134: {  	s1 =	ssub.s32 @!p0 $0x0, s1;
	[sflag:s0] =	ssyncset.done @!p0 $0x0  }
0x135: {  	[sflag:s0] =	ssyncadd.s32 @!p0 s1  }
0x136: {  	[bflag:$0x3] =	sbarrier.arrive $0xFFFF  }
0x137: {  	_ =	shalt  }

</sc_bundles>
